<compile_context>
chip_gen: v7x
topology: tpu7x:2x2x1
jax: 0.10.2.dev20260603
libtpu: 0.0.44.dev20260713+nightly
codegen_flags: <defaults>
</compile_context>

<pallas_src>
import functools

import jax
import jax.numpy as jnp
from jax import lax
from jax.experimental import pallas as pl
from jax.experimental.pallas import tpu as pltpu
from jax.experimental.pallas import tpu_sc as plsc


def _merge_table_body(probs_ref, t_ref, w_ref, y_ref):
    E = w_ref.shape[0]
    w = jnp.concatenate([probs_ref[0, c] * w_ref[c] for c in range(E)],
                        axis=1)
    y_ref[...] = lax.dot_general(t_ref[...], w, (((1,), (1,)), ((), ())),
                                 preferred_element_type=jnp.float32)


def _merged_table(probs, tables_t, W_out):
    V = tables_t.shape[0]
    E, D, R = W_out.shape
    VB = next(b for b in (10000, 4000, 2000, 1000, 500, 250, 200, 100, 50, 25,
                          8, 1) if V % b == 0)
    return pl.pallas_call(
        _merge_table_body,
        grid=(V // VB,),
        in_specs=[
            pl.BlockSpec(memory_space=pltpu.SMEM),
            pl.BlockSpec((VB, E * R), lambda i: (i, 0)),
            pl.BlockSpec((E, D, R), lambda i: (0, 0, 0)),
        ],
        out_specs=pl.BlockSpec((VB, D), lambda i: (i, 0)),
        out_shape=jax.ShapeDtypeStruct((V, D), jnp.float32),
    )(probs.reshape(1, E), tables_t, W_out)


def _make_sc_gather(B, L, D, NW):
    RPW = B // NW
    RPC = 2
    CH = RPC * L
    NCH = RPW // RPC
    mesh = plsc.VectorSubcoreMesh(core_axis_name="c", subcore_axis_name="s")

    NB = 8

    @functools.partial(
        pl.kernel,
        out_type=jax.ShapeDtypeStruct((L, B, D), jnp.float32),
        mesh=mesh,
        scratch_types=[
            pltpu.VMEM((NCH, CH), jnp.int32),
            pltpu.VMEM((NB, CH, D), jnp.float32),
            pltpu.SemaphoreType.DMA,
            pltpu.SemaphoreType.DMA,
        ],
    )
    def gather_kernel(y_hbm, idx_hbm, out_hbm, idx_v, rows_v, gsem, ssem):
        cid = lax.axis_index("c")
        sid = lax.axis_index("s")
        wid = sid * 2 + cid
        base = wid * RPW
        pltpu.sync_copy(idx_hbm.at[wid], idx_v)
        for k in range(NB - 1):
            pltpu.async_copy(y_hbm.at[idx_v.at[k]], rows_v.at[k], gsem)

        def store_wait(bb, rr):
            for q in range(RPC):
                pltpu.make_async_copy(rows_v.at[bb, pl.ds(q * L, L)],
                                      out_hbm.at[:, rr + q], ssem).wait()

        def body(g, carry):
            for b in range(NB):
                j = g * NB + b
                pltpu.make_async_copy(y_hbm.at[idx_v.at[j]],
                                      rows_v.at[b], gsem).wait()
                r0 = base + j * RPC
                for q in range(RPC):
                    pltpu.async_copy(rows_v.at[b, pl.ds(q * L, L)],
                                     out_hbm.at[:, r0 + q], ssem)
                nxt = j + NB - 1
                pb = (b + NB - 1) % NB

                @pl.when(jnp.logical_and(nxt < NCH, j >= 1))
                def _():
                    store_wait(pb, base + (j - 1) * RPC)

                @pl.when(nxt < NCH)
                def _():
                    pltpu.async_copy(y_hbm.at[idx_v.at[nxt]],
                                     rows_v.at[pb], gsem)
            return carry

        lax.fori_loop(0, NCH // NB, body, 0)
        for k in range(NB):
            j = NCH - NB + k
            store_wait(j % NB, base + j * RPC)

    return gather_kernel


def kernel(x, probs, tables_in, W_out):
    B, L = x.shape
    E, V, R = tables_in.shape
    D = W_out.shape[1]
    NW = 32

    tables_t = lax.reshape(tables_in, (V, E * R), dimensions=(1, 0, 2))
    y = _merged_table(probs, tables_t, W_out)
    idx = x.reshape(NW, B // (NW * 2), 2 * L).astype(jnp.int32)
    out_lbd = _make_sc_gather(B, L, D, NW)(y, idx)
    return jnp.transpose(out_lbd, (1, 0, 2))

# --- scband reference (transcript-rebuilt; emitter-appended) ---
"""Pipeline reference for scband-lora-embedding-experts-36936718745946 (READ-ONLY COPY).

The authoritative reference and input builder live on the scoring server;
editing this copy changes nothing except your own understanding.
"""

import jax, jax.numpy as jnp
import numpy as np

E = 8         # num_experts
V = 100000    # num_embeddings (vocab)
R = 16        # lora rank
D = 128       # embedding_dim
B = 4096      # batch
L = 50        # hist_len


def setup_inputs(seed: int = 0) -> dict:
    key = jax.random.key(seed)
    k1, k2, k3, k4 = jax.random.split(key, 4)
    x = jax.random.randint(k1, (B, L), 0, V, dtype=jnp.int64)
    probs = jax.random.uniform(k2, (E,), dtype=jnp.float32)
    probs = probs / jnp.sum(probs)
    # per-expert low-rank embedding tables (layer_in weights), init 'normal_in' scale 1.0
    tables_in = jax.random.normal(k3, (E, V, R), dtype=jnp.float32) / np.sqrt(R)
    # per-expert up-projection (nn.Linear(rank, embedding_dim, bias=False) weight is [D, R])
    W_out = jax.random.normal(k4, (E, D, R), dtype=jnp.float32) * 0.02
    return {"x": x, "probs": probs, "tables_in": tables_in, "W_out": W_out}


def reference(x, probs, tables_in, W_out):
    # outputs[c] = layer_out[c](layer_in[c](x))  -> [B, L, D]
    outputs = jnp.stack([
        jnp.take(tables_in[c], x, axis=0) @ W_out[c].T
        for c in range(E)
    ])  # [E, B, L, D]
    # weighted_output = einsum('c,c...', probs, outputs)
    weighted_output = jnp.einsum('c,c...->...', probs, outputs)
    return weighted_output

if __name__ == "__main__":
    import jax
    _d = setup_inputs()
    print(jax.jit(kernel)(*tuple(_d.values())))

</pallas_src>

<mosaic_0001>
#map = affine_map<(d0, d1) -> (0, 0)>
#map1 = affine_map<(d0, d1) -> (0, 0, 0)>
module attributes {stable_mosaic.version = 14 : i64} {
  func.func @gather_kernel(%arg0: i32, %arg1: i32, %arg2: memref<100000x128xf32, #tpu.memory_space<hbm>>, %arg3: memref<32x64x100xi32, #tpu.memory_space<hbm>>, %arg4: memref<50x4096x128xf32, #tpu.memory_space<hbm>>, %arg5: memref<64x100xi32, #tpu.memory_space<vmem>>, %arg6: memref<8x100x128xf32, #tpu.memory_space<vmem>>, %arg7: memref<!tpu.dma_semaphore, #tpu.memory_space<semaphore_mem>>, %arg8: memref<!tpu.dma_semaphore, #tpu.memory_space<semaphore_mem>>) attributes {dimension_semantics = [#tpu.dimension_semantics<core_parallel>, #tpu.dimension_semantics<subcore_parallel>], iteration_bounds = array<i64: 2, 16>, scalar_prefetch = 0 : i64, scratch_operands = 4 : i64, tpu.core_type = #tpu.core_type<sc_vector_subcore>, window_params = [{transform_indices = #map}, {transform_indices = #map1}, {transform_indices = #map1}]} {
    %mul3A = arith.constant 2 : i32
    %mul3A_0 = arith.muli %arg1, %mul3A : i32
    %add3A = arith.addi %mul3A_0, %arg0 : i32
    %mul3A_1 = arith.constant 128 : i32
    %mul3A_2 = arith.muli %add3A, %mul3A_1 : i32
    "tpu.region"() ({
      %run_scoped3A = tpu.sem_alloc : memref<!tpu.dma_semaphore, #tpu.memory_space<semaphore_mem>>
      %dma_start3A_410 = arith.constant 0 : i32
      %dma_start3A_411 = arith.constant 0 : i32
      %dma_start3A_412 = tpu.memref_slice %arg3[%add3A, %dma_start3A_410, %dma_start3A_411] : memref<32x64x100xi32, #tpu.memory_space<hbm>> -> memref<1x64x100xi32, #tpu.memory_space<hbm>>
      %dma_start3A_413 = tpu.memref_squeeze %dma_start3A_412 : memref<1x64x100xi32, #tpu.memory_space<hbm>> -> memref<64x100xi32, #tpu.memory_space<hbm>>
      %dma_start3A_414 = arith.constant 0 : i32
      %dma_start3A_415 = arith.constant 0 : i32
      %dma_start3A_416 = tpu.memref_slice %arg3[%add3A, %dma_start3A_414, %dma_start3A_415] : memref<32x64x100xi32, #tpu.memory_space<hbm>> -> memref<1x64x100xi32, #tpu.memory_space<hbm>>
      %dma_start3A_417 = tpu.memref_squeeze %dma_start3A_416 : memref<1x64x100xi32, #tpu.memory_space<hbm>> -> memref<64x100xi32, #tpu.memory_space<hbm>>
      tpu.enqueue_dma source(%dma_start3A_417 : memref<64x100xi32, #tpu.memory_space<hbm>>) target(%arg5 : memref<64x100xi32, #tpu.memory_space<vmem>>) target_semaphore(%run_scoped3A : memref<!tpu.dma_semaphore, #tpu.memory_space<semaphore_mem>>)
      %dma_wait3A_418 = arith.constant 0 : i32
      %dma_wait3A_419 = arith.constant 0 : i32
      %dma_wait3A_420 = tpu.memref_slice %arg3[%add3A, %dma_wait3A_418, %dma_wait3A_419] : memref<32x64x100xi32, #tpu.memory_space<hbm>> -> memref<1x64x100xi32, #tpu.memory_space<hbm>>
      %dma_wait3A_421 = tpu.memref_squeeze %dma_wait3A_420 : memref<1x64x100xi32, #tpu.memory_space<hbm>> -> memref<64x100xi32, #tpu.memory_space<hbm>>
      %dma_wait3A_422 = arith.constant 0 : i32
      %dma_wait3A_423 = arith.constant 0 : i32
      %dma_wait3A_424 = tpu.memref_slice %arg3[%add3A, %dma_wait3A_422, %dma_wait3A_423] : memref<32x64x100xi32, #tpu.memory_space<hbm>> -> memref<1x64x100xi32, #tpu.memory_space<hbm>>
      %dma_wait3A_425 = tpu.memref_squeeze %dma_wait3A_424 : memref<1x64x100xi32, #tpu.memory_space<hbm>> -> memref<64x100xi32, #tpu.memory_space<hbm>>
      tpu.wait_dma2 semaphore(%run_scoped3A : memref<!tpu.dma_semaphore, #tpu.memory_space<semaphore_mem>>) src(%dma_wait3A_425 : memref<64x100xi32, #tpu.memory_space<hbm>>) dst(%arg5 : memref<64x100xi32, #tpu.memory_space<vmem>>)
      tpu.yield
    }) : () -> ()
    %dma_start3A = arith.constant 0 : i32
    %dma_start3A_3 = arith.constant 0 : i32
    %dma_start3A_4 = arith.constant 0 : i32
    %dma_start3A_5 = arith.constant 0 : i32
    %dma_start3A_6 = tpu.memref_slice %arg6[%dma_start3A_3, %dma_start3A_4, %dma_start3A_5] : memref<8x100x128xf32, #tpu.memory_space<vmem>> -> memref<1x100x128xf32, #tpu.memory_space<vmem>>
    %dma_start3A_7 = tpu.memref_squeeze %dma_start3A_6 : memref<1x100x128xf32, #tpu.memory_space<vmem>> -> memref<100x128xf32, #tpu.memory_space<vmem>>
    %dma_start3A_8 = arith.constant 0 : i32
    %dma_start3A_9 = tpu.memref_slice %arg5[%dma_start3A, %dma_start3A_8] : memref<64x100xi32, #tpu.memory_space<vmem>> -> memref<1x100xi32, #tpu.memory_space<vmem>>
    %dma_start3A_10 = tpu.memref_squeeze %dma_start3A_9 : memref<1x100xi32, #tpu.memory_space<vmem>> -> memref<100xi32, #tpu.memory_space<vmem>>
    %dma_start3A_11 = arith.constant 0 : i32
    %dma_start3A_12 = arith.constant 0 : i32
    %dma_start3A_13 = tpu.memref_slice %arg2[%dma_start3A_11, %dma_start3A_12] : memref<100000x128xf32, #tpu.memory_space<hbm>> -> memref<100000x128xf32, #tpu.memory_space<hbm>>
    tpu.enqueue_indirect_dma source(%dma_start3A_13 : memref<100000x128xf32, #tpu.memory_space<hbm>>) target(%dma_start3A_7 : memref<100x128xf32, #tpu.memory_space<vmem>>) offsets(%dma_start3A_10 : memref<100xi32, #tpu.memory_space<vmem>>) semaphore(%arg7 : memref<!tpu.dma_semaphore, #tpu.memory_space<semaphore_mem>>)
    %dma_start3A_14 = arith.constant 1 : i32
    %dma_start3A_15 = arith.constant 1 : i32
    %dma_start3A_16 = arith.constant 0 : i32
    %dma_start3A_17 = arith.constant 0 : i32
    %dma_start3A_18 = tpu.memref_slice %arg6[%dma_start3A_15, %dma_start3A_16, %dma_start3A_17] : memref<8x100x128xf32, #tpu.memory_space<vmem>> -> memref<1x100x128xf32, #tpu.memory_space<vmem>>
    %dma_start3A_19 = tpu.memref_squeeze %dma_start3A_18 : memref<1x100x128xf32, #tpu.memory_space<vmem>> -> memref<100x128xf32, #tpu.memory_space<vmem>>
    %dma_start3A_20 = arith.constant 0 : i32
    %dma_start3A_21 = tpu.memref_slice %arg5[%dma_start3A_14, %dma_start3A_20] : memref<64x100xi32, #tpu.memory_space<vmem>> -> memref<1x100xi32, #tpu.memory_space<vmem>>
    %dma_start3A_22 = tpu.memref_squeeze %dma_start3A_21 : memref<1x100xi32, #tpu.memory_space<vmem>> -> memref<100xi32, #tpu.memory_space<vmem>>
    %dma_start3A_23 = arith.constant 0 : i32
    %dma_start3A_24 = arith.constant 0 : i32
    %dma_start3A_25 = tpu.memref_slice %arg2[%dma_start3A_23, %dma_start3A_24] : memref<100000x128xf32, #tpu.memory_space<hbm>> -> memref<100000x128xf32, #tpu.memory_space<hbm>>
    tpu.enqueue_indirect_dma source(%dma_start3A_25 : memref<100000x128xf32, #tpu.memory_space<hbm>>) target(%dma_start3A_19 : memref<100x128xf32, #tpu.memory_space<vmem>>) offsets(%dma_start3A_22 : memref<100xi32, #tpu.memory_space<vmem>>) semaphore(%arg7 : memref<!tpu.dma_semaphore, #tpu.memory_space<semaphore_mem>>)
    %dma_start3A_26 = arith.constant 2 : i32
    %dma_start3A_27 = arith.constant 2 : i32
    %dma_start3A_28 = arith.constant 0 : i32
    %dma_start3A_29 = arith.constant 0 : i32
    %dma_start3A_30 = tpu.memref_slice %arg6[%dma_start3A_27, %dma_start3A_28, %dma_start3A_29] : memref<8x100x128xf32, #tpu.memory_space<vmem>> -> memref<1x100x128xf32, #tpu.memory_space<vmem>>
    %dma_start3A_31 = tpu.memref_squeeze %dma_start3A_30 : memref<1x100x128xf32, #tpu.memory_space<vmem>> -> memref<100x128xf32, #tpu.memory_space<vmem>>
    %dma_start3A_32 = arith.constant 0 : i32
    %dma_start3A_33 = tpu.memref_slice %arg5[%dma_start3A_26, %dma_start3A_32] : memref<64x100xi32, #tpu.memory_space<vmem>> -> memref<1x100xi32, #tpu.memory_space<vmem>>
    %dma_start3A_34 = tpu.memref_squeeze %dma_start3A_33 : memref<1x100xi32, #tpu.memory_space<vmem>> -> memref<100xi32, #tpu.memory_space<vmem>>
    %dma_start3A_35 = arith.constant 0 : i32
    %dma_start3A_36 = arith.constant 0 : i32
    %dma_start3A_37 = tpu.memref_slice %arg2[%dma_start3A_35, %dma_start3A_36] : memref<100000x128xf32, #tpu.memory_space<hbm>> -> memref<100000x128xf32, #tpu.memory_space<hbm>>
    tpu.enqueue_indirect_dma source(%dma_start3A_37 : memref<100000x128xf32, #tpu.memory_space<hbm>>) target(%dma_start3A_31 : memref<100x128xf32, #tpu.memory_space<vmem>>) offsets(%dma_start3A_34 : memref<100xi32, #tpu.memory_space<vmem>>) semaphore(%arg7 : memref<!tpu.dma_semaphore, #tpu.memory_space<semaphore_mem>>)
    %dma_start3A_38 = arith.constant 3 : i32
    %dma_start3A_39 = arith.constant 3 : i32
    %dma_start3A_40 = arith.constant 0 : i32
    %dma_start3A_41 = arith.constant 0 : i32
    %dma_start3A_42 = tpu.memref_slice %arg6[%dma_start3A_39, %dma_start3A_40, %dma_start3A_41] : memref<8x100x128xf32, #tpu.memory_space<vmem>> -> memref<1x100x128xf32, #tpu.memory_space<vmem>>
    %dma_start3A_43 = tpu.memref_squeeze %dma_start3A_42 : memref<1x100x128xf32, #tpu.memory_space<vmem>> -> memref<100x128xf32, #tpu.memory_space<vmem>>
    %dma_start3A_44 = arith.constant 0 : i32
    %dma_start3A_45 = tpu.memref_slice %arg5[%dma_start3A_38, %dma_start3A_44] : memref<64x100xi32, #tpu.memory_space<vmem>> -> memref<1x100xi32, #tpu.memory_space<vmem>>
    %dma_start3A_46 = tpu.memref_squeeze %dma_start3A_45 : memref<1x100xi32, #tpu.memory_space<vmem>> -> memref<100xi32, #tpu.memory_space<vmem>>
    %dma_start3A_47 = arith.constant 0 : i32
    %dma_start3A_48 = arith.constant 0 : i32
    %dma_start3A_49 = tpu.memref_slice %arg2[%dma_start3A_47, %dma_start3A_48] : memref<100000x128xf32, #tpu.memory_space<hbm>> -> memref<100000x128xf32, #tpu.memory_space<hbm>>
    tpu.enqueue_indirect_dma source(%dma_start3A_49 : memref<100000x128xf32, #tpu.memory_space<hbm>>) target(%dma_start3A_43 : memref<100x128xf32, #tpu.memory_space<vmem>>) offsets(%dma_start3A_46 : memref<100xi32, #tpu.memory_space<vmem>>) semaphore(%arg7 : memref<!tpu.dma_semaphore, #tpu.memory_space<semaphore_mem>>)
    %dma_start3A_50 = arith.constant 4 : i32
    %dma_start3A_51 = arith.constant 4 : i32
    %dma_start3A_52 = arith.constant 0 : i32
    %dma_start3A_53 = arith.constant 0 : i32
    %dma_start3A_54 = tpu.memref_slice %arg6[%dma_start3A_51, %dma_start3A_52, %dma_start3A_53] : memref<8x100x128xf32, #tpu.memory_space<vmem>> -> memref<1x100x128xf32, #tpu.memory_space<vmem>>
    %dma_start3A_55 = tpu.memref_squeeze %dma_start3A_54 : memref<1x100x128xf32, #tpu.memory_space<vmem>> -> memref<100x128xf32, #tpu.memory_space<vmem>>
    %dma_start3A_56 = arith.constant 0 : i32
    %dma_start3A_57 = tpu.memref_slice %arg5[%dma_start3A_50, %dma_start3A_56] : memref<64x100xi32, #tpu.memory_space<vmem>> -> memref<1x100xi32, #tpu.memory_space<vmem>>
    %dma_start3A_58 = tpu.memref_squeeze %dma_start3A_57 : memref<1x100xi32, #tpu.memory_space<vmem>> -> memref<100xi32, #tpu.memory_space<vmem>>
    %dma_start3A_59 = arith.constant 0 : i32
    %dma_start3A_60 = arith.constant 0 : i32
    %dma_start3A_61 = tpu.memref_slice %arg2[%dma_start3A_59, %dma_start3A_60] : memref<100000x128xf32, #tpu.memory_space<hbm>> -> memref<100000x128xf32, #tpu.memory_space<hbm>>
    tpu.enqueue_indirect_dma source(%dma_start3A_61 : memref<100000x128xf32, #tpu.memory_space<hbm>>) target(%dma_start3A_55 : memref<100x128xf32, #tpu.memory_space<vmem>>) offsets(%dma_start3A_58 : memref<100xi32, #tpu.memory_space<vmem>>) semaphore(%arg7 : memref<!tpu.dma_semaphore, #tpu.memory_space<semaphore_mem>>)
    %dma_start3A_62 = arith.constant 5 : i32
    %dma_start3A_63 = arith.constant 5 : i32
    %dma_start3A_64 = arith.constant 0 : i32
    %dma_start3A_65 = arith.constant 0 : i32
    %dma_start3A_66 = tpu.memref_slice %arg6[%dma_start3A_63, %dma_start3A_64, %dma_start3A_65] : memref<8x100x128xf32, #tpu.memory_space<vmem>> -> memref<1x100x128xf32, #tpu.memory_space<vmem>>
    %dma_start3A_67 = tpu.memref_squeeze %dma_start3A_66 : memref<1x100x128xf32, #tpu.memory_space<vmem>> -> memref<100x128xf32, #tpu.memory_space<vmem>>
    %dma_start3A_68 = arith.constant 0 : i32
    %dma_start3A_69 = tpu.memref_slice %arg5[%dma_start3A_62, %dma_start3A_68] : memref<64x100xi32, #tpu.memory_space<vmem>> -> memref<1x100xi32, #tpu.memory_space<vmem>>
    %dma_start3A_70 = tpu.memref_squeeze %dma_start3A_69 : memref<1x100xi32, #tpu.memory_space<vmem>> -> memref<100xi32, #tpu.memory_space<vmem>>
    %dma_start3A_71 = arith.constant 0 : i32
    %dma_start3A_72 = arith.constant 0 : i32
    %dma_start3A_73 = tpu.memref_slice %arg2[%dma_start3A_71, %dma_start3A_72] : memref<100000x128xf32, #tpu.memory_space<hbm>> -> memref<100000x128xf32, #tpu.memory_space<hbm>>
    tpu.enqueue_indirect_dma source(%dma_start3A_73 : memref<100000x128xf32, #tpu.memory_space<hbm>>) target(%dma_start3A_67 : memref<100x128xf32, #tpu.memory_space<vmem>>) offsets(%dma_start3A_70 : memref<100xi32, #tpu.memory_space<vmem>>) semaphore(%arg7 : memref<!tpu.dma_semaphore, #tpu.memory_space<semaphore_mem>>)
    %dma_start3A_74 = arith.constant 6 : i32
    %dma_start3A_75 = arith.constant 6 : i32
    %dma_start3A_76 = arith.constant 0 : i32
    %dma_start3A_77 = arith.constant 0 : i32
    %dma_start3A_78 = tpu.memref_slice %arg6[%dma_start3A_75, %dma_start3A_76, %dma_start3A_77] : memref<8x100x128xf32, #tpu.memory_space<vmem>> -> memref<1x100x128xf32, #tpu.memory_space<vmem>>
    %dma_start3A_79 = tpu.memref_squeeze %dma_start3A_78 : memref<1x100x128xf32, #tpu.memory_space<vmem>> -> memref<100x128xf32, #tpu.memory_space<vmem>>
    %dma_start3A_80 = arith.constant 0 : i32
    %dma_start3A_81 = tpu.memref_slice %arg5[%dma_start3A_74, %dma_start3A_80] : memref<64x100xi32, #tpu.memory_space<vmem>> -> memref<1x100xi32, #tpu.memory_space<vmem>>
    %dma_start3A_82 = tpu.memref_squeeze %dma_start3A_81 : memref<1x100xi32, #tpu.memory_space<vmem>> -> memref<100xi32, #tpu.memory_space<vmem>>
    %dma_start3A_83 = arith.constant 0 : i32
    %dma_start3A_84 = arith.constant 0 : i32
    %dma_start3A_85 = tpu.memref_slice %arg2[%dma_start3A_83, %dma_start3A_84] : memref<100000x128xf32, #tpu.memory_space<hbm>> -> memref<100000x128xf32, #tpu.memory_space<hbm>>
    tpu.enqueue_indirect_dma source(%dma_start3A_85 : memref<100000x128xf32, #tpu.memory_space<hbm>>) target(%dma_start3A_79 : memref<100x128xf32, #tpu.memory_space<vmem>>) offsets(%dma_start3A_82 : memref<100xi32, #tpu.memory_space<vmem>>) semaphore(%arg7 : memref<!tpu.dma_semaphore, #tpu.memory_space<semaphore_mem>>)
    %scan3A = arith.constant 0 : i32
    %scan3A_86 = arith.constant 0 : i32
    %scan3A_87 = arith.constant 8 : i32
    %scan3A_88 = arith.addi %scan3A_86, %scan3A_87 : i32
    %scan3A_89 = arith.constant 1 : i32
    scf.for %scan3A_410 = %scan3A_86 to %scan3A_88 step %scan3A_89  : i32 {
      %mul3A_411 = arith.constant 8 : i32
      %mul3A_412 = arith.muli %scan3A_410, %mul3A_411 : i32
      %add3A_413 = arith.constant 0 : i32
      %add3A_414 = arith.addi %mul3A_412, %add3A_413 : i32
      %dma_wait3A_415 = arith.constant 0 : i32
      %dma_wait3A_416 = arith.constant 0 : i32
      %dma_wait3A_417 = arith.constant 0 : i32
      %dma_wait3A_418 = tpu.memref_slice %arg6[%dma_wait3A_415, %dma_wait3A_416, %dma_wait3A_417] : memref<8x100x128xf32, #tpu.memory_space<vmem>> -> memref<1x100x128xf32, #tpu.memory_space<vmem>>
      %dma_wait3A_419 = tpu.memref_squeeze %dma_wait3A_418 : memref<1x100x128xf32, #tpu.memory_space<vmem>> -> memref<100x128xf32, #tpu.memory_space<vmem>>
      %dma_wait3A_420 = arith.constant 0 : i32
      %dma_wait3A_421 = tpu.memref_slice %arg5[%add3A_414, %dma_wait3A_420] : memref<64x100xi32, #tpu.memory_space<vmem>> -> memref<1x100xi32, #tpu.memory_space<vmem>>
      %dma_wait3A_422 = tpu.memref_squeeze %dma_wait3A_421 : memref<1x100xi32, #tpu.memory_space<vmem>> -> memref<100xi32, #tpu.memory_space<vmem>>
      %dma_wait3A_423 = arith.constant 0 : i32
      %dma_wait3A_424 = arith.constant 0 : i32
      %dma_wait3A_425 = tpu.memref_slice %arg2[%dma_wait3A_423, %dma_wait3A_424] : memref<100000x128xf32, #tpu.memory_space<hbm>> -> memref<100000x128xf32, #tpu.memory_space<hbm>>
      tpu.wait_indirect_dma semaphore(%arg7 : memref<!tpu.dma_semaphore, #tpu.memory_space<semaphore_mem>>) src(%dma_wait3A_425 : memref<100000x128xf32, #tpu.memory_space<hbm>>) dst(%dma_wait3A_419 : memref<100x128xf32, #tpu.memory_space<vmem>>)
      %mul3A_426 = arith.constant 2 : i32
      %mul3A_427 = arith.muli %add3A_414, %mul3A_426 : i32
      %add3A_428 = arith.addi %mul3A_2, %mul3A_427 : i32
      %add3A_429 = arith.constant 0 : i32
      %add3A_430 = arith.addi %add3A_428, %add3A_429 : i32
      %dma_start3A_431 = arith.constant 0 : i32
      %dma_start3A_432 = arith.constant 0 : i32
      %dma_start3A_433 = arith.constant 0 : i32
      %dma_start3A_434 = tpu.memref_slice %arg6[%dma_start3A_431, %dma_start3A_432, %dma_start3A_433] : memref<8x100x128xf32, #tpu.memory_space<vmem>> -> memref<1x50x128xf32, #tpu.memory_space<vmem>>
      %dma_start3A_435 = tpu.memref_squeeze %dma_start3A_434 : memref<1x50x128xf32, #tpu.memory_space<vmem>> -> memref<50x128xf32, #tpu.memory_space<vmem>>
      %dma_start3A_436 = arith.constant 0 : i32
      %dma_start3A_437 = arith.constant 0 : i32
      %dma_start3A_438 = tpu.memref_slice %arg4[%dma_start3A_436, %add3A_430, %dma_start3A_437] : memref<50x4096x128xf32, #tpu.memory_space<hbm>> -> memref<50x1x128xf32, #tpu.memory_space<hbm>>
      %dma_start3A_439 = tpu.memref_squeeze %dma_start3A_438 : memref<50x1x128xf32, #tpu.memory_space<hbm>> -> memref<50x128xf32, #tpu.memory_space<hbm>>
      %dma_start3A_440 = arith.constant 0 : i32
      %dma_start3A_441 = arith.constant 0 : i32
      %dma_start3A_442 = tpu.memref_slice %arg4[%dma_start3A_440, %add3A_430, %dma_start3A_441] : memref<50x4096x128xf32, #tpu.memory_space<hbm>> -> memref<50x1x128xf32, #tpu.memory_space<hbm>>
      %dma_start3A_443 = tpu.memref_squeeze %dma_start3A_442 : memref<50x1x128xf32, #tpu.memory_space<hbm>> -> memref<50x128xf32, #tpu.memory_space<hbm>>
      %dma_start3A_444 = arith.constant 0 : i32
      %dma_start3A_445 = arith.constant 0 : i32
      %dma_start3A_446 = tpu.memref_slice %arg6[%dma_start3A_431, %dma_start3A_444, %dma_start3A_445] : memref<8x100x128xf32, #tpu.memory_space<vmem>> -> memref<1x50x128xf32, #tpu.memory_space<vmem>>
      %dma_start3A_447 = tpu.memref_squeeze %dma_start3A_446 : memref<1x50x128xf32, #tpu.memory_space<vmem>> -> memref<50x128xf32, #tpu.memory_space<vmem>>
      tpu.enqueue_dma source(%dma_start3A_447 : memref<50x128xf32, #tpu.memory_space<vmem>>) target(%dma_start3A_443 : memref<50x128xf32, #tpu.memory_space<hbm>>) target_semaphore(%arg8 : memref<!tpu.dma_semaphore, #tpu.memory_space<semaphore_mem>>)
      %add3A_448 = arith.constant 1 : i32
      %add3A_449 = arith.addi %add3A_428, %add3A_448 : i32
      %dma_start3A_450 = arith.constant 0 : i32
      %dma_start3A_451 = arith.constant 50 : i32
      %dma_start3A_452 = arith.constant 0 : i32
      %dma_start3A_453 = tpu.memref_slice %arg6[%dma_start3A_450, %dma_start3A_451, %dma_start3A_452] : memref<8x100x128xf32, #tpu.memory_space<vmem>> -> memref<1x50x128xf32, #tpu.memory_space<vmem>>
      %dma_start3A_454 = tpu.memref_squeeze %dma_start3A_453 : memref<1x50x128xf32, #tpu.memory_space<vmem>> -> memref<50x128xf32, #tpu.memory_space<vmem>>
      %dma_start3A_455 = arith.constant 0 : i32
      %dma_start3A_456 = arith.constant 0 : i32
      %dma_start3A_457 = tpu.memref_slice %arg4[%dma_start3A_455, %add3A_449, %dma_start3A_456] : memref<50x4096x128xf32, #tpu.memory_space<hbm>> -> memref<50x1x128xf32, #tpu.memory_space<hbm>>
      %dma_start3A_458 = tpu.memref_squeeze %dma_start3A_457 : memref<50x1x128xf32, #tpu.memory_space<hbm>> -> memref<50x128xf32, #tpu.memory_space<hbm>>
      %dma_start3A_459 = arith.constant 0 : i32
      %dma_start3A_460 = arith.constant 0 : i32
      %dma_start3A_461 = tpu.memref_slice %arg4[%dma_start3A_459, %add3A_449, %dma_start3A_460] : memref<50x4096x128xf32, #tpu.memory_space<hbm>> -> memref<50x1x128xf32, #tpu.memory_space<hbm>>
      %dma_start3A_462 = tpu.memref_squeeze %dma_start3A_461 : memref<50x1x128xf32, #tpu.memory_space<hbm>> -> memref<50x128xf32, #tpu.memory_space<hbm>>
      %dma_start3A_463 = arith.constant 50 : i32
      %dma_start3A_464 = arith.constant 0 : i32
      %dma_start3A_465 = tpu.memref_slice %arg6[%dma_start3A_450, %dma_start3A_463, %dma_start3A_464] : memref<8x100x128xf32, #tpu.memory_space<vmem>> -> memref<1x50x128xf32, #tpu.memory_space<vmem>>
      %dma_start3A_466 = tpu.memref_squeeze %dma_start3A_465 : memref<1x50x128xf32, #tpu.memory_space<vmem>> -> memref<50x128xf32, #tpu.memory_space<vmem>>
      tpu.enqueue_dma source(%dma_start3A_466 : memref<50x128xf32, #tpu.memory_space<vmem>>) target(%dma_start3A_462 : memref<50x128xf32, #tpu.memory_space<hbm>>) target_semaphore(%arg8 : memref<!tpu.dma_semaphore, #tpu.memory_space<semaphore_mem>>)
      %add3A_467 = arith.constant 8 : i32
      %add3A_468 = arith.addi %add3A_414, %add3A_467 : i32
      %sub3A = arith.constant 1 : i32
      %sub3A_469 = arith.subi %add3A_468, %sub3A : i32
      %lt3A = arith.constant 64 : i32
      %lt3A_470 = arith.cmpi slt, %sub3A_469, %lt3A : i32
      %ge3A = arith.constant 1 : i32
      %ge3A_471 = arith.cmpi sge, %add3A_414, %ge3A : i32
      %and3A = arith.andi %lt3A_470, %ge3A_471 : i1
      %convert_element_type3A = arith.extui %and3A : i1 to i32
      %cond3A = arith.constant 0 : i32
      %cond3A_472 = arith.cmpi ne, %convert_element_type3A, %cond3A : i32
      scf.if %cond3A_472 {
        %sub3A_989 = arith.constant 1 : i32
        %sub3A_990 = arith.subi %add3A_414, %sub3A_989 : i32
        %mul3A_991 = arith.constant 2 : i32
        %mul3A_992 = arith.muli %sub3A_990, %mul3A_991 : i32
        %add3A_993 = arith.addi %mul3A_2, %mul3A_992 : i32
        %add3A_994 = arith.constant 0 : i32
        %add3A_995 = arith.addi %add3A_993, %add3A_994 : i32
        %dma_wait3A_996 = arith.constant 7 : i32
        %dma_wait3A_997 = arith.constant 0 : i32
        %dma_wait3A_998 = arith.constant 0 : i32
        %dma_wait3A_999 = tpu.memref_slice %arg6[%dma_wait3A_996, %dma_wait3A_997, %dma_wait3A_998] : memref<8x100x128xf32, #tpu.memory_space<vmem>> -> memref<1x50x128xf32, #tpu.memory_space<vmem>>
        %dma_wait3A_1000 = tpu.memref_squeeze %dma_wait3A_999 : memref<1x50x128xf32, #tpu.memory_space<vmem>> -> memref<50x128xf32, #tpu.memory_space<vmem>>
        %dma_wait3A_1001 = arith.constant 0 : i32
        %dma_wait3A_1002 = arith.constant 0 : i32
        %dma_wait3A_1003 = tpu.memref_slice %arg4[%dma_wait3A_1001, %add3A_995, %dma_wait3A_1002] : memref<50x4096x128xf32, #tpu.memory_space<hbm>> -> memref<50x1x128xf32, #tpu.memory_space<hbm>>
        %dma_wait3A_1004 = tpu.memref_squeeze %dma_wait3A_1003 : memref<50x1x128xf32, #tpu.memory_space<hbm>> -> memref<50x128xf32, #tpu.memory_space<hbm>>
        %dma_wait3A_1005 = arith.constant 0 : i32
        %dma_wait3A_1006 = arith.constant 0 : i32
        %dma_wait3A_1007 = tpu.memref_slice %arg4[%dma_wait3A_1005, %add3A_995, %dma_wait3A_1006] : memref<50x4096x128xf32, #tpu.memory_space<hbm>> -> memref<50x1x128xf32, #tpu.memory_space<hbm>>
        %dma_wait3A_1008 = tpu.memref_squeeze %dma_wait3A_1007 : memref<50x1x128xf32, #tpu.memory_space<hbm>> -> memref<50x128xf32, #tpu.memory_space<hbm>>
        %dma_wait3A_1009 = arith.constant 0 : i32
        %dma_wait3A_1010 = arith.constant 0 : i32
        %dma_wait3A_1011 = tpu.memref_slice %arg6[%dma_wait3A_996, %dma_wait3A_1009, %dma_wait3A_1010] : memref<8x100x128xf32, #tpu.memory_space<vmem>> -> memref<1x50x128xf32, #tpu.memory_space<vmem>>
        %dma_wait3A_1012 = tpu.memref_squeeze %dma_wait3A_1011 : memref<1x50x128xf32, #tpu.memory_space<vmem>> -> memref<50x128xf32, #tpu.memory_space<vmem>>
        tpu.wait_dma2 semaphore(%arg8 : memref<!tpu.dma_semaphore, #tpu.memory_space<semaphore_mem>>) src(%dma_wait3A_1012 : memref<50x128xf32, #tpu.memory_space<vmem>>) dst(%dma_wait3A_1008 : memref<50x128xf32, #tpu.memory_space<hbm>>)
        %add3A_1013 = arith.constant 1 : i32
        %add3A_1014 = arith.addi %add3A_993, %add3A_1013 : i32
        %dma_wait3A_1015 = arith.constant 7 : i32
        %dma_wait3A_1016 = arith.constant 50 : i32
        %dma_wait3A_1017 = arith.constant 0 : i32
        %dma_wait3A_1018 = tpu.memref_slice %arg6[%dma_wait3A_1015, %dma_wait3A_1016, %dma_wait3A_1017] : memref<8x100x128xf32, #tpu.memory_space<vmem>> -> memref<1x50x128xf32, #tpu.memory_space<vmem>>
        %dma_wait3A_1019 = tpu.memref_squeeze %dma_wait3A_1018 : memref<1x50x128xf32, #tpu.memory_space<vmem>> -> memref<50x128xf32, #tpu.memory_space<vmem>>
        %dma_wait3A_1020 = arith.constant 0 : i32
        %dma_wait3A_1021 = arith.constant 0 : i32
        %dma_wait3A_1022 = tpu.memref_slice %arg4[%dma_wait3A_1020, %add3A_1014, %dma_wait3A_1021] : memref<50x4096x128xf32, #tpu.memory_space<hbm>> -> memref<50x1x128xf32, #tpu.memory_space<hbm>>
        %dma_wait3A_1023 = tpu.memref_squeeze %dma_wait3A_1022 : memref<50x1x128xf32, #tpu.memory_space<hbm>> -> memref<50x128xf32, #tpu.memory_space<hbm>>
        %dma_wait3A_1024 = arith.constant 0 : i32
        %dma_wait3A_1025 = arith.constant 0 : i32
        %dma_wait3A_1026 = tpu.memref_slice %arg4[%dma_wait3A_1024, %add3A_1014, %dma_wait3A_1025] : memref<50x4096x128xf32, #tpu.memory_space<hbm>> -> memref<50x1x128xf32, #tpu.memory_space<hbm>>
        %dma_wait3A_1027 = tpu.memref_squeeze %dma_wait3A_1026 : memref<50x1x128xf32, #tpu.memory_space<hbm>> -> memref<50x128xf32, #tpu.memory_space<hbm>>
        %dma_wait3A_1028 = arith.constant 50 : i32
        %dma_wait3A_1029 = arith.constant 0 : i32
        %dma_wait3A_1030 = tpu.memref_slice %arg6[%dma_wait3A_1015, %dma_wait3A_1028, %dma_wait3A_1029] : memref<8x100x128xf32, #tpu.memory_space<vmem>> -> memref<1x50x128xf32, #tpu.memory_space<vmem>>
        %dma_wait3A_1031 = tpu.memref_squeeze %dma_wait3A_1030 : memref<1x50x128xf32, #tpu.memory_space<vmem>> -> memref<50x128xf32, #tpu.memory_space<vmem>>
        tpu.wait_dma2 semaphore(%arg8 : memref<!tpu.dma_semaphore, #tpu.memory_space<semaphore_mem>>) src(%dma_wait3A_1031 : memref<50x128xf32, #tpu.memory_space<vmem>>) dst(%dma_wait3A_1027 : memref<50x128xf32, #tpu.memory_space<hbm>>)
      } else {
      }
      %lt3A_473 = arith.constant 64 : i32
      %lt3A_474 = arith.cmpi slt, %sub3A_469, %lt3A_473 : i32
      %convert_element_type3A_475 = arith.extui %lt3A_474 : i1 to i32
      %cond3A_476 = arith.constant 0 : i32
      %cond3A_477 = arith.cmpi ne, %convert_element_type3A_475, %cond3A_476 : i32
      scf.if %cond3A_477 {
        %dma_start3A_989 = arith.constant 7 : i32
        %dma_start3A_990 = arith.constant 0 : i32
        %dma_start3A_991 = arith.constant 0 : i32
        %dma_start3A_992 = tpu.memref_slice %arg6[%dma_start3A_989, %dma_start3A_990, %dma_start3A_991] : memref<8x100x128xf32, #tpu.memory_space<vmem>> -> memref<1x100x128xf32, #tpu.memory_space<vmem>>
        %dma_start3A_993 = tpu.memref_squeeze %dma_start3A_992 : memref<1x100x128xf32, #tpu.memory_space<vmem>> -> memref<100x128xf32, #tpu.memory_space<vmem>>
        %dma_start3A_994 = arith.constant 0 : i32
        %dma_start3A_995 = tpu.memref_slice %arg5[%sub3A_469, %dma_start3A_994] : memref<64x100xi32, #tpu.memory_space<vmem>> -> memref<1x100xi32, #tpu.memory_space<vmem>>
        %dma_start3A_996 = tpu.memref_squeeze %dma_start3A_995 : memref<1x100xi32, #tpu.memory_space<vmem>> -> memref<100xi32, #tpu.memory_space<vmem>>
        %dma_start3A_997 = arith.constant 0 : i32
        %dma_start3A_998 = arith.constant 0 : i32
        %dma_start3A_999 = tpu.memref_slice %arg2[%dma_start3A_997, %dma_start3A_998] : memref<100000x128xf32, #tpu.memory_space<hbm>> -> memref<100000x128xf32, #tpu.memory_space<hbm>>
        tpu.enqueue_indirect_dma source(%dma_start3A_999 : memref<100000x128xf32, #tpu.memory_space<hbm>>) target(%dma_start3A_993 : memref<100x128xf32, #tpu.memory_space<vmem>>) offsets(%dma_start3A_996 : memref<100xi32, #tpu.memory_space<vmem>>) semaphore(%arg7 : memref<!tpu.dma_semaphore, #tpu.memory_space<semaphore_mem>>)
      } else {
      }
      %mul3A_478 = arith.constant 8 : i32
      %mul3A_479 = arith.muli %scan3A_410, %mul3A_478 : i32
      %add3A_480 = arith.constant 1 : i32
      %add3A_481 = arith.addi %mul3A_479, %add3A_480 : i32
      %dma_wait3A_482 = arith.constant 1 : i32
      %dma_wait3A_483 = arith.constant 0 : i32
      %dma_wait3A_484 = arith.constant 0 : i32
      %dma_wait3A_485 = tpu.memref_slice %arg6[%dma_wait3A_482, %dma_wait3A_483, %dma_wait3A_484] : memref<8x100x128xf32, #tpu.memory_space<vmem>> -> memref<1x100x128xf32, #tpu.memory_space<vmem>>
      %dma_wait3A_486 = tpu.memref_squeeze %dma_wait3A_485 : memref<1x100x128xf32, #tpu.memory_space<vmem>> -> memref<100x128xf32, #tpu.memory_space<vmem>>
      %dma_wait3A_487 = arith.constant 0 : i32
      %dma_wait3A_488 = tpu.memref_slice %arg5[%add3A_481, %dma_wait3A_487] : memref<64x100xi32, #tpu.memory_space<vmem>> -> memref<1x100xi32, #tpu.memory_space<vmem>>
      %dma_wait3A_489 = tpu.memref_squeeze %dma_wait3A_488 : memref<1x100xi32, #tpu.memory_space<vmem>> -> memref<100xi32, #tpu.memory_space<vmem>>
      %dma_wait3A_490 = arith.constant 0 : i32
      %dma_wait3A_491 = arith.constant 0 : i32
      %dma_wait3A_492 = tpu.memref_slice %arg2[%dma_wait3A_490, %dma_wait3A_491] : memref<100000x128xf32, #tpu.memory_space<hbm>> -> memref<100000x128xf32, #tpu.memory_space<hbm>>
      tpu.wait_indirect_dma semaphore(%arg7 : memref<!tpu.dma_semaphore, #tpu.memory_space<semaphore_mem>>) src(%dma_wait3A_492 : memref<100000x128xf32, #tpu.memory_space<hbm>>) dst(%dma_wait3A_486 : memref<100x128xf32, #tpu.memory_space<vmem>>)
      %mul3A_493 = arith.constant 2 : i32
      %mul3A_494 = arith.muli %add3A_481, %mul3A_493 : i32
      %add3A_495 = arith.addi %mul3A_2, %mul3A_494 : i32
      %add3A_496 = arith.constant 0 : i32
      %add3A_497 = arith.addi %add3A_495, %add3A_496 : i32
      %dma_start3A_498 = arith.constant 1 : i32
      %dma_start3A_499 = arith.constant 0 : i32
      %dma_start3A_500 = arith.constant 0 : i32
      %dma_start3A_501 = tpu.memref_slice %arg6[%dma_start3A_498, %dma_start3A_499, %dma_start3A_500] : memref<8x100x128xf32, #tpu.memory_space<vmem>> -> memref<1x50x128xf32, #tpu.memory_space<vmem>>
      %dma_start3A_502 = tpu.memref_squeeze %dma_start3A_501 : memref<1x50x128xf32, #tpu.memory_space<vmem>> -> memref<50x128xf32, #tpu.memory_space<vmem>>
      %dma_start3A_503 = arith.constant 0 : i32
      %dma_start3A_504 = arith.constant 0 : i32
      %dma_start3A_505 = tpu.memref_slice %arg4[%dma_start3A_503, %add3A_497, %dma_start3A_504] : memref<50x4096x128xf32, #tpu.memory_space<hbm>> -> memref<50x1x128xf32, #tpu.memory_space<hbm>>
      %dma_start3A_506 = tpu.memref_squeeze %dma_start3A_505 : memref<50x1x128xf32, #tpu.memory_space<hbm>> -> memref<50x128xf32, #tpu.memory_space<hbm>>
      %dma_start3A_507 = arith.constant 0 : i32
      %dma_start3A_508 = arith.constant 0 : i32
      %dma_start3A_509 = tpu.memref_slice %arg4[%dma_start3A_507, %add3A_497, %dma_start3A_508] : memref<50x4096x128xf32, #tpu.memory_space<hbm>> -> memref<50x1x128xf32, #tpu.memory_space<hbm>>
      %dma_start3A_510 = tpu.memref_squeeze %dma_start3A_509 : memref<50x1x128xf32, #tpu.memory_space<hbm>> -> memref<50x128xf32, #tpu.memory_space<hbm>>
      %dma_start3A_511 = arith.constant 0 : i32
      %dma_start3A_512 = arith.constant 0 : i32
      %dma_start3A_513 = tpu.memref_slice %arg6[%dma_start3A_498, %dma_start3A_511, %dma_start3A_512] : memref<8x100x128xf32, #tpu.memory_space<vmem>> -> memref<1x50x128xf32, #tpu.memory_space<vmem>>
      %dma_start3A_514 = tpu.memref_squeeze %dma_start3A_513 : memref<1x50x128xf32, #tpu.memory_space<vmem>> -> memref<50x128xf32, #tpu.memory_space<vmem>>
      tpu.enqueue_dma source(%dma_start3A_514 : memref<50x128xf32, #tpu.memory_space<vmem>>) target(%dma_start3A_510 : memref<50x128xf32, #tpu.memory_space<hbm>>) target_semaphore(%arg8 : memref<!tpu.dma_semaphore, #tpu.memory_space<semaphore_mem>>)
      %add3A_515 = arith.constant 1 : i32
      %add3A_516 = arith.addi %add3A_495, %add3A_515 : i32
      %dma_start3A_517 = arith.constant 1 : i32
      %dma_start3A_518 = arith.constant 50 : i32
      %dma_start3A_519 = arith.constant 0 : i32
      %dma_start3A_520 = tpu.memref_slice %arg6[%dma_start3A_517, %dma_start3A_518, %dma_start3A_519] : memref<8x100x128xf32, #tpu.memory_space<vmem>> -> memref<1x50x128xf32, #tpu.memory_space<vmem>>
      %dma_start3A_521 = tpu.memref_squeeze %dma_start3A_520 : memref<1x50x128xf32, #tpu.memory_space<vmem>> -> memref<50x128xf32, #tpu.memory_space<vmem>>
      %dma_start3A_522 = arith.constant 0 : i32
      %dma_start3A_523 = arith.constant 0 : i32
      %dma_start3A_524 = tpu.memref_slice %arg4[%dma_start3A_522, %add3A_516, %dma_start3A_523] : memref<50x4096x128xf32, #tpu.memory_space<hbm>> -> memref<50x1x128xf32, #tpu.memory_space<hbm>>
      %dma_start3A_525 = tpu.memref_squeeze %dma_start3A_524 : memref<50x1x128xf32, #tpu.memory_space<hbm>> -> memref<50x128xf32, #tpu.memory_space<hbm>>
      %dma_start3A_526 = arith.constant 0 : i32
      %dma_start3A_527 = arith.constant 0 : i32
      %dma_start3A_528 = tpu.memref_slice %arg4[%dma_start3A_526, %add3A_516, %dma_start3A_527] : memref<50x4096x128xf32, #tpu.memory_space<hbm>> -> memref<50x1x128xf32, #tpu.memory_space<hbm>>
      %dma_start3A_529 = tpu.memref_squeeze %dma_start3A_528 : memref<50x1x128xf32, #tpu.memory_space<hbm>> -> memref<50x128xf32, #tpu.memory_space<hbm>>
      %dma_start3A_530 = arith.constant 50 : i32
      %dma_start3A_531 = arith.constant 0 : i32
      %dma_start3A_532 = tpu.memref_slice %arg6[%dma_start3A_517, %dma_start3A_530, %dma_start3A_531] : memref<8x100x128xf32, #tpu.memory_space<vmem>> -> memref<1x50x128xf32, #tpu.memory_space<vmem>>
      %dma_start3A_533 = tpu.memref_squeeze %dma_start3A_532 : memref<1x50x128xf32, #tpu.memory_space<vmem>> -> memref<50x128xf32, #tpu.memory_space<vmem>>
      tpu.enqueue_dma source(%dma_start3A_533 : memref<50x128xf32, #tpu.memory_space<vmem>>) target(%dma_start3A_529 : memref<50x128xf32, #tpu.memory_space<hbm>>) target_semaphore(%arg8 : memref<!tpu.dma_semaphore, #tpu.memory_space<semaphore_mem>>)
      %add3A_534 = arith.constant 8 : i32
      %add3A_535 = arith.addi %add3A_481, %add3A_534 : i32
      %sub3A_536 = arith.constant 1 : i32
      %sub3A_537 = arith.subi %add3A_535, %sub3A_536 : i32
      %lt3A_538 = arith.constant 64 : i32
      %lt3A_539 = arith.cmpi slt, %sub3A_537, %lt3A_538 : i32
      %ge3A_540 = arith.constant 1 : i32
      %ge3A_541 = arith.cmpi sge, %add3A_481, %ge3A_540 : i32
      %and3A_542 = arith.andi %lt3A_539, %ge3A_541 : i1
      %convert_element_type3A_543 = arith.extui %and3A_542 : i1 to i32
      %cond3A_544 = arith.constant 0 : i32
      %cond3A_545 = arith.cmpi ne, %convert_element_type3A_543, %cond3A_544 : i32
      scf.if %cond3A_545 {
        %sub3A_989 = arith.constant 1 : i32
        %sub3A_990 = arith.subi %add3A_481, %sub3A_989 : i32
        %mul3A_991 = arith.constant 2 : i32
        %mul3A_992 = arith.muli %sub3A_990, %mul3A_991 : i32
        %add3A_993 = arith.addi %mul3A_2, %mul3A_992 : i32
        %add3A_994 = arith.constant 0 : i32
        %add3A_995 = arith.addi %add3A_993, %add3A_994 : i32
        %dma_wait3A_996 = arith.constant 0 : i32
        %dma_wait3A_997 = arith.constant 0 : i32
        %dma_wait3A_998 = arith.constant 0 : i32
        %dma_wait3A_999 = tpu.memref_slice %arg6[%dma_wait3A_996, %dma_wait3A_997, %dma_wait3A_998] : memref<8x100x128xf32, #tpu.memory_space<vmem>> -> memref<1x50x128xf32, #tpu.memory_space<vmem>>
        %dma_wait3A_1000 = tpu.memref_squeeze %dma_wait3A_999 : memref<1x50x128xf32, #tpu.memory_space<vmem>> -> memref<50x128xf32, #tpu.memory_space<vmem>>
        %dma_wait3A_1001 = arith.constant 0 : i32
        %dma_wait3A_1002 = arith.constant 0 : i32
        %dma_wait3A_1003 = tpu.memref_slice %arg4[%dma_wait3A_1001, %add3A_995, %dma_wait3A_1002] : memref<50x4096x128xf32, #tpu.memory_space<hbm>> -> memref<50x1x128xf32, #tpu.memory_space<hbm>>
        %dma_wait3A_1004 = tpu.memref_squeeze %dma_wait3A_1003 : memref<50x1x128xf32, #tpu.memory_space<hbm>> -> memref<50x128xf32, #tpu.memory_space<hbm>>
        %dma_wait3A_1005 = arith.constant 0 : i32
        %dma_wait3A_1006 = arith.constant 0 : i32
        %dma_wait3A_1007 = tpu.memref_slice %arg4[%dma_wait3A_1005, %add3A_995, %dma_wait3A_1006] : memref<50x4096x128xf32, #tpu.memory_space<hbm>> -> memref<50x1x128xf32, #tpu.memory_space<hbm>>
        %dma_wait3A_1008 = tpu.memref_squeeze %dma_wait3A_1007 : memref<50x1x128xf32, #tpu.memory_space<hbm>> -> memref<50x128xf32, #tpu.memory_space<hbm>>
        %dma_wait3A_1009 = arith.constant 0 : i32
        %dma_wait3A_1010 = arith.constant 0 : i32
        %dma_wait3A_1011 = tpu.memref_slice %arg6[%dma_wait3A_996, %dma_wait3A_1009, %dma_wait3A_1010] : memref<8x100x128xf32, #tpu.memory_space<vmem>> -> memref<1x50x128xf32, #tpu.memory_space<vmem>>
        %dma_wait3A_1012 = tpu.memref_squeeze %dma_wait3A_1011 : memref<1x50x128xf32, #tpu.memory_space<vmem>> -> memref<50x128xf32, #tpu.memory_space<vmem>>
        tpu.wait_dma2 semaphore(%arg8 : memref<!tpu.dma_semaphore, #tpu.memory_space<semaphore_mem>>) src(%dma_wait3A_1012 : memref<50x128xf32, #tpu.memory_space<vmem>>) dst(%dma_wait3A_1008 : memref<50x128xf32, #tpu.memory_space<hbm>>)
        %add3A_1013 = arith.constant 1 : i32
        %add3A_1014 = arith.addi %add3A_993, %add3A_1013 : i32
        %dma_wait3A_1015 = arith.constant 0 : i32
        %dma_wait3A_1016 = arith.constant 50 : i32
        %dma_wait3A_1017 = arith.constant 0 : i32
        %dma_wait3A_1018 = tpu.memref_slice %arg6[%dma_wait3A_1015, %dma_wait3A_1016, %dma_wait3A_1017] : memref<8x100x128xf32, #tpu.memory_space<vmem>> -> memref<1x50x128xf32, #tpu.memory_space<vmem>>
        %dma_wait3A_1019 = tpu.memref_squeeze %dma_wait3A_1018 : memref<1x50x128xf32, #tpu.memory_space<vmem>> -> memref<50x128xf32, #tpu.memory_space<vmem>>
        %dma_wait3A_1020 = arith.constant 0 : i32
        %dma_wait3A_1021 = arith.constant 0 : i32
        %dma_wait3A_1022 = tpu.memref_slice %arg4[%dma_wait3A_1020, %add3A_1014, %dma_wait3A_1021] : memref<50x4096x128xf32, #tpu.memory_space<hbm>> -> memref<50x1x128xf32, #tpu.memory_space<hbm>>
        %dma_wait3A_1023 = tpu.memref_squeeze %dma_wait3A_1022 : memref<50x1x128xf32, #tpu.memory_space<hbm>> -> memref<50x128xf32, #tpu.memory_space<hbm>>
        %dma_wait3A_1024 = arith.constant 0 : i32
        %dma_wait3A_1025 = arith.constant 0 : i32
        %dma_wait3A_1026 = tpu.memref_slice %arg4[%dma_wait3A_1024, %add3A_1014, %dma_wait3A_1025] : memref<50x4096x128xf32, #tpu.memory_space<hbm>> -> memref<50x1x128xf32, #tpu.memory_space<hbm>>
        %dma_wait3A_1027 = tpu.memref_squeeze %dma_wait3A_1026 : memref<50x1x128xf32, #tpu.memory_space<hbm>> -> memref<50x128xf32, #tpu.memory_space<hbm>>
        %dma_wait3A_1028 = arith.constant 50 : i32
        %dma_wait3A_1029 = arith.constant 0 : i32
        %dma_wait3A_1030 = tpu.memref_slice %arg6[%dma_wait3A_1015, %dma_wait3A_1028, %dma_wait3A_1029] : memref<8x100x128xf32, #tpu.memory_space<vmem>> -> memref<1x50x128xf32, #tpu.memory_space<vmem>>
        %dma_wait3A_1031 = tpu.memref_squeeze %dma_wait3A_1030 : memref<1x50x128xf32, #tpu.memory_space<vmem>> -> memref<50x128xf32, #tpu.memory_space<vmem>>
        tpu.wait_dma2 semaphore(%arg8 : memref<!tpu.dma_semaphore, #tpu.memory_space<semaphore_mem>>) src(%dma_wait3A_1031 : memref<50x128xf32, #tpu.memory_space<vmem>>) dst(%dma_wait3A_1027 : memref<50x128xf32, #tpu.memory_space<hbm>>)
      } else {
      }
      %lt3A_546 = arith.constant 64 : i32
      %lt3A_547 = arith.cmpi slt, %sub3A_537, %lt3A_546 : i32
      %convert_element_type3A_548 = arith.extui %lt3A_547 : i1 to i32
      %cond3A_549 = arith.constant 0 : i32
      %cond3A_550 = arith.cmpi ne, %convert_element_type3A_548, %cond3A_549 : i32
      scf.if %cond3A_550 {
        %dma_start3A_989 = arith.constant 0 : i32
        %dma_start3A_990 = arith.constant 0 : i32
        %dma_start3A_991 = arith.constant 0 : i32
        %dma_start3A_992 = tpu.memref_slice %arg6[%dma_start3A_989, %dma_start3A_990, %dma_start3A_991] : memref<8x100x128xf32, #tpu.memory_space<vmem>> -> memref<1x100x128xf32, #tpu.memory_space<vmem>>
        %dma_start3A_993 = tpu.memref_squeeze %dma_start3A_992 : memref<1x100x128xf32, #tpu.memory_space<vmem>> -> memref<100x128xf32, #tpu.memory_space<vmem>>
        %dma_start3A_994 = arith.constant 0 : i32
        %dma_start3A_995 = tpu.memref_slice %arg5[%sub3A_537, %dma_start3A_994] : memref<64x100xi32, #tpu.memory_space<vmem>> -> memref<1x100xi32, #tpu.memory_space<vmem>>
        %dma_start3A_996 = tpu.memref_squeeze %dma_start3A_995 : memref<1x100xi32, #tpu.memory_space<vmem>> -> memref<100xi32, #tpu.memory_space<vmem>>
        %dma_start3A_997 = arith.constant 0 : i32
        %dma_start3A_998 = arith.constant 0 : i32
        %dma_start3A_999 = tpu.memref_slice %arg2[%dma_start3A_997, %dma_start3A_998] : memref<100000x128xf32, #tpu.memory_space<hbm>> -> memref<100000x128xf32, #tpu.memory_space<hbm>>
        tpu.enqueue_indirect_dma source(%dma_start3A_999 : memref<100000x128xf32, #tpu.memory_space<hbm>>) target(%dma_start3A_993 : memref<100x128xf32, #tpu.memory_space<vmem>>) offsets(%dma_start3A_996 : memref<100xi32, #tpu.memory_space<vmem>>) semaphore(%arg7 : memref<!tpu.dma_semaphore, #tpu.memory_space<semaphore_mem>>)
      } else {
      }
      %mul3A_551 = arith.constant 8 : i32
      %mul3A_552 = arith.muli %scan3A_410, %mul3A_551 : i32
      %add3A_553 = arith.constant 2 : i32
      %add3A_554 = arith.addi %mul3A_552, %add3A_553 : i32
      %dma_wait3A_555 = arith.constant 2 : i32
      %dma_wait3A_556 = arith.constant 0 : i32
      %dma_wait3A_557 = arith.constant 0 : i32
      %dma_wait3A_558 = tpu.memref_slice %arg6[%dma_wait3A_555, %dma_wait3A_556, %dma_wait3A_557] : memref<8x100x128xf32, #tpu.memory_space<vmem>> -> memref<1x100x128xf32, #tpu.memory_space<vmem>>
      %dma_wait3A_559 = tpu.memref_squeeze %dma_wait3A_558 : memref<1x100x128xf32, #tpu.memory_space<vmem>> -> memref<100x128xf32, #tpu.memory_space<vmem>>
      %dma_wait3A_560 = arith.constant 0 : i32
      %dma_wait3A_561 = tpu.memref_slice %arg5[%add3A_554, %dma_wait3A_560] : memref<64x100xi32, #tpu.memory_space<vmem>> -> memref<1x100xi32, #tpu.memory_space<vmem>>
      %dma_wait3A_562 = tpu.memref_squeeze %dma_wait3A_561 : memref<1x100xi32, #tpu.memory_space<vmem>> -> memref<100xi32, #tpu.memory_space<vmem>>
      %dma_wait3A_563 = arith.constant 0 : i32
      %dma_wait3A_564 = arith.constant 0 : i32
      %dma_wait3A_565 = tpu.memref_slice %arg2[%dma_wait3A_563, %dma_wait3A_564] : memref<100000x128xf32, #tpu.memory_space<hbm>> -> memref<100000x128xf32, #tpu.memory_space<hbm>>
      tpu.wait_indirect_dma semaphore(%arg7 : memref<!tpu.dma_semaphore, #tpu.memory_space<semaphore_mem>>) src(%dma_wait3A_565 : memref<100000x128xf32, #tpu.memory_space<hbm>>) dst(%dma_wait3A_559 : memref<100x128xf32, #tpu.memory_space<vmem>>)
      %mul3A_566 = arith.constant 2 : i32
      %mul3A_567 = arith.muli %add3A_554, %mul3A_566 : i32
      %add3A_568 = arith.addi %mul3A_2, %mul3A_567 : i32
      %add3A_569 = arith.constant 0 : i32
      %add3A_570 = arith.addi %add3A_568, %add3A_569 : i32
      %dma_start3A_571 = arith.constant 2 : i32
      %dma_start3A_572 = arith.constant 0 : i32
      %dma_start3A_573 = arith.constant 0 : i32
      %dma_start3A_574 = tpu.memref_slice %arg6[%dma_start3A_571, %dma_start3A_572, %dma_start3A_573] : memref<8x100x128xf32, #tpu.memory_space<vmem>> -> memref<1x50x128xf32, #tpu.memory_space<vmem>>
      %dma_start3A_575 = tpu.memref_squeeze %dma_start3A_574 : memref<1x50x128xf32, #tpu.memory_space<vmem>> -> memref<50x128xf32, #tpu.memory_space<vmem>>
      %dma_start3A_576 = arith.constant 0 : i32
      %dma_start3A_577 = arith.constant 0 : i32
      %dma_start3A_578 = tpu.memref_slice %arg4[%dma_start3A_576, %add3A_570, %dma_start3A_577] : memref<50x4096x128xf32, #tpu.memory_space<hbm>> -> memref<50x1x128xf32, #tpu.memory_space<hbm>>
      %dma_start3A_579 = tpu.memref_squeeze %dma_start3A_578 : memref<50x1x128xf32, #tpu.memory_space<hbm>> -> memref<50x128xf32, #tpu.memory_space<hbm>>
      %dma_start3A_580 = arith.constant 0 : i32
      %dma_start3A_581 = arith.constant 0 : i32
      %dma_start3A_582 = tpu.memref_slice %arg4[%dma_start3A_580, %add3A_570, %dma_start3A_581] : memref<50x4096x128xf32, #tpu.memory_space<hbm>> -> memref<50x1x128xf32, #tpu.memory_space<hbm>>
      %dma_start3A_583 = tpu.memref_squeeze %dma_start3A_582 : memref<50x1x128xf32, #tpu.memory_space<hbm>> -> memref<50x128xf32, #tpu.memory_space<hbm>>
      %dma_start3A_584 = arith.constant 0 : i32
      %dma_start3A_585 = arith.constant 0 : i32
      %dma_start3A_586 = tpu.memref_slice %arg6[%dma_start3A_571, %dma_start3A_584, %dma_start3A_585] : memref<8x100x128xf32, #tpu.memory_space<vmem>> -> memref<1x50x128xf32, #tpu.memory_space<vmem>>
      %dma_start3A_587 = tpu.memref_squeeze %dma_start3A_586 : memref<1x50x128xf32, #tpu.memory_space<vmem>> -> memref<50x128xf32, #tpu.memory_space<vmem>>
      tpu.enqueue_dma source(%dma_start3A_587 : memref<50x128xf32, #tpu.memory_space<vmem>>) target(%dma_start3A_583 : memref<50x128xf32, #tpu.memory_space<hbm>>) target_semaphore(%arg8 : memref<!tpu.dma_semaphore, #tpu.memory_space<semaphore_mem>>)
      %add3A_588 = arith.constant 1 : i32
      %add3A_589 = arith.addi %add3A_568, %add3A_588 : i32
      %dma_start3A_590 = arith.constant 2 : i32
      %dma_start3A_591 = arith.constant 50 : i32
      %dma_start3A_592 = arith.constant 0 : i32
      %dma_start3A_593 = tpu.memref_slice %arg6[%dma_start3A_590, %dma_start3A_591, %dma_start3A_592] : memref<8x100x128xf32, #tpu.memory_space<vmem>> -> memref<1x50x128xf32, #tpu.memory_space<vmem>>
      %dma_start3A_594 = tpu.memref_squeeze %dma_start3A_593 : memref<1x50x128xf32, #tpu.memory_space<vmem>> -> memref<50x128xf32, #tpu.memory_space<vmem>>
      %dma_start3A_595 = arith.constant 0 : i32
      %dma_start3A_596 = arith.constant 0 : i32
      %dma_start3A_597 = tpu.memref_slice %arg4[%dma_start3A_595, %add3A_589, %dma_start3A_596] : memref<50x4096x128xf32, #tpu.memory_space<hbm>> -> memref<50x1x128xf32, #tpu.memory_space<hbm>>
      %dma_start3A_598 = tpu.memref_squeeze %dma_start3A_597 : memref<50x1x128xf32, #tpu.memory_space<hbm>> -> memref<50x128xf32, #tpu.memory_space<hbm>>
      %dma_start3A_599 = arith.constant 0 : i32
      %dma_start3A_600 = arith.constant 0 : i32
      %dma_start3A_601 = tpu.memref_slice %arg4[%dma_start3A_599, %add3A_589, %dma_start3A_600] : memref<50x4096x128xf32, #tpu.memory_space<hbm>> -> memref<50x1x128xf32, #tpu.memory_space<hbm>>
      %dma_start3A_602 = tpu.memref_squeeze %dma_start3A_601 : memref<50x1x128xf32, #tpu.memory_space<hbm>> -> memref<50x128xf32, #tpu.memory_space<hbm>>
      %dma_start3A_603 = arith.constant 50 : i32
      %dma_start3A_604 = arith.constant 0 : i32
      %dma_start3A_605 = tpu.memref_slice %arg6[%dma_start3A_590, %dma_start3A_603, %dma_start3A_604] : memref<8x100x128xf32, #tpu.memory_space<vmem>> -> memref<1x50x128xf32, #tpu.memory_space<vmem>>
      %dma_start3A_606 = tpu.memref_squeeze %dma_start3A_605 : memref<1x50x128xf32, #tpu.memory_space<vmem>> -> memref<50x128xf32, #tpu.memory_space<vmem>>
      tpu.enqueue_dma source(%dma_start3A_606 : memref<50x128xf32, #tpu.memory_space<vmem>>) target(%dma_start3A_602 : memref<50x128xf32, #tpu.memory_space<hbm>>) target_semaphore(%arg8 : memref<!tpu.dma_semaphore, #tpu.memory_space<semaphore_mem>>)
      %add3A_607 = arith.constant 8 : i32
      %add3A_608 = arith.addi %add3A_554, %add3A_607 : i32
      %sub3A_609 = arith.constant 1 : i32
      %sub3A_610 = arith.subi %add3A_608, %sub3A_609 : i32
      %lt3A_611 = arith.constant 64 : i32
      %lt3A_612 = arith.cmpi slt, %sub3A_610, %lt3A_611 : i32
      %ge3A_613 = arith.constant 1 : i32
      %ge3A_614 = arith.cmpi sge, %add3A_554, %ge3A_613 : i32
      %and3A_615 = arith.andi %lt3A_612, %ge3A_614 : i1
      %convert_element_type3A_616 = arith.extui %and3A_615 : i1 to i32
      %cond3A_617 = arith.constant 0 : i32
      %cond3A_618 = arith.cmpi ne, %convert_element_type3A_616, %cond3A_617 : i32
      scf.if %cond3A_618 {
        %sub3A_989 = arith.constant 1 : i32
        %sub3A_990 = arith.subi %add3A_554, %sub3A_989 : i32
        %mul3A_991 = arith.constant 2 : i32
        %mul3A_992 = arith.muli %sub3A_990, %mul3A_991 : i32
        %add3A_993 = arith.addi %mul3A_2, %mul3A_992 : i32
        %add3A_994 = arith.constant 0 : i32
        %add3A_995 = arith.addi %add3A_993, %add3A_994 : i32
        %dma_wait3A_996 = arith.constant 1 : i32
        %dma_wait3A_997 = arith.constant 0 : i32
        %dma_wait3A_998 = arith.constant 0 : i32
        %dma_wait3A_999 = tpu.memref_slice %arg6[%dma_wait3A_996, %dma_wait3A_997, %dma_wait3A_998] : memref<8x100x128xf32, #tpu.memory_space<vmem>> -> memref<1x50x128xf32, #tpu.memory_space<vmem>>
        %dma_wait3A_1000 = tpu.memref_squeeze %dma_wait3A_999 : memref<1x50x128xf32, #tpu.memory_space<vmem>> -> memref<50x128xf32, #tpu.memory_space<vmem>>
        %dma_wait3A_1001 = arith.constant 0 : i32
        %dma_wait3A_1002 = arith.constant 0 : i32
        %dma_wait3A_1003 = tpu.memref_slice %arg4[%dma_wait3A_1001, %add3A_995, %dma_wait3A_1002] : memref<50x4096x128xf32, #tpu.memory_space<hbm>> -> memref<50x1x128xf32, #tpu.memory_space<hbm>>
        %dma_wait3A_1004 = tpu.memref_squeeze %dma_wait3A_1003 : memref<50x1x128xf32, #tpu.memory_space<hbm>> -> memref<50x128xf32, #tpu.memory_space<hbm>>
        %dma_wait3A_1005 = arith.constant 0 : i32
        %dma_wait3A_1006 = arith.constant 0 : i32
        %dma_wait3A_1007 = tpu.memref_slice %arg4[%dma_wait3A_1005, %add3A_995, %dma_wait3A_1006] : memref<50x4096x128xf32, #tpu.memory_space<hbm>> -> memref<50x1x128xf32, #tpu.memory_space<hbm>>
        %dma_wait3A_1008 = tpu.memref_squeeze %dma_wait3A_1007 : memref<50x1x128xf32, #tpu.memory_space<hbm>> -> memref<50x128xf32, #tpu.memory_space<hbm>>
        %dma_wait3A_1009 = arith.constant 0 : i32
        %dma_wait3A_1010 = arith.constant 0 : i32
        %dma_wait3A_1011 = tpu.memref_slice %arg6[%dma_wait3A_996, %dma_wait3A_1009, %dma_wait3A_1010] : memref<8x100x128xf32, #tpu.memory_space<vmem>> -> memref<1x50x128xf32, #tpu.memory_space<vmem>>
        %dma_wait3A_1012 = tpu.memref_squeeze %dma_wait3A_1011 : memref<1x50x128xf32, #tpu.memory_space<vmem>> -> memref<50x128xf32, #tpu.memory_space<vmem>>
        tpu.wait_dma2 semaphore(%arg8 : memref<!tpu.dma_semaphore, #tpu.memory_space<semaphore_mem>>) src(%dma_wait3A_1012 : memref<50x128xf32, #tpu.memory_space<vmem>>) dst(%dma_wait3A_1008 : memref<50x128xf32, #tpu.memory_space<hbm>>)
        %add3A_1013 = arith.constant 1 : i32
        %add3A_1014 = arith.addi %add3A_993, %add3A_1013 : i32
        %dma_wait3A_1015 = arith.constant 1 : i32
        %dma_wait3A_1016 = arith.constant 50 : i32
        %dma_wait3A_1017 = arith.constant 0 : i32
        %dma_wait3A_1018 = tpu.memref_slice %arg6[%dma_wait3A_1015, %dma_wait3A_1016, %dma_wait3A_1017] : memref<8x100x128xf32, #tpu.memory_space<vmem>> -> memref<1x50x128xf32, #tpu.memory_space<vmem>>
        %dma_wait3A_1019 = tpu.memref_squeeze %dma_wait3A_1018 : memref<1x50x128xf32, #tpu.memory_space<vmem>> -> memref<50x128xf32, #tpu.memory_space<vmem>>
        %dma_wait3A_1020 = arith.constant 0 : i32
        %dma_wait3A_1021 = arith.constant 0 : i32
        %dma_wait3A_1022 = tpu.memref_slice %arg4[%dma_wait3A_1020, %add3A_1014, %dma_wait3A_1021] : memref<50x4096x128xf32, #tpu.memory_space<hbm>> -> memref<50x1x128xf32, #tpu.memory_space<hbm>>
        %dma_wait3A_1023 = tpu.memref_squeeze %dma_wait3A_1022 : memref<50x1x128xf32, #tpu.memory_space<hbm>> -> memref<50x128xf32, #tpu.memory_space<hbm>>
        %dma_wait3A_1024 = arith.constant 0 : i32
        %dma_wait3A_1025 = arith.constant 0 : i32
        %dma_wait3A_1026 = tpu.memref_slice %arg4[%dma_wait3A_1024, %add3A_1014, %dma_wait3A_1025] : memref<50x4096x128xf32, #tpu.memory_space<hbm>> -> memref<50x1x128xf32, #tpu.memory_space<hbm>>
        %dma_wait3A_1027 = tpu.memref_squeeze %dma_wait3A_1026 : memref<50x1x128xf32, #tpu.memory_space<hbm>> -> memref<50x128xf32, #tpu.memory_space<hbm>>
        %dma_wait3A_1028 = arith.constant 50 : i32
        %dma_wait3A_1029 = arith.constant 0 : i32
        %dma_wait3A_1030 = tpu.memref_slice %arg6[%dma_wait3A_1015, %dma_wait3A_1028, %dma_wait3A_1029] : memref<8x100x128xf32, #tpu.memory_space<vmem>> -> memref<1x50x128xf32, #tpu.memory_space<vmem>>
        %dma_wait3A_1031 = tpu.memref_squeeze %dma_wait3A_1030 : memref<1x50x128xf32, #tpu.memory_space<vmem>> -> memref<50x128xf32, #tpu.memory_space<vmem>>
        tpu.wait_dma2 semaphore(%arg8 : memref<!tpu.dma_semaphore, #tpu.memory_space<semaphore_mem>>) src(%dma_wait3A_1031 : memref<50x128xf32, #tpu.memory_space<vmem>>) dst(%dma_wait3A_1027 : memref<50x128xf32, #tpu.memory_space<hbm>>)
      } else {
      }
      %lt3A_619 = arith.constant 64 : i32
      %lt3A_620 = arith.cmpi slt, %sub3A_610, %lt3A_619 : i32
      %convert_element_type3A_621 = arith.extui %lt3A_620 : i1 to i32
      %cond3A_622 = arith.constant 0 : i32
      %cond3A_623 = arith.cmpi ne, %convert_element_type3A_621, %cond3A_622 : i32
      scf.if %cond3A_623 {
        %dma_start3A_989 = arith.constant 1 : i32
        %dma_start3A_990 = arith.constant 0 : i32
        %dma_start3A_991 = arith.constant 0 : i32
        %dma_start3A_992 = tpu.memref_slice %arg6[%dma_start3A_989, %dma_start3A_990, %dma_start3A_991] : memref<8x100x128xf32, #tpu.memory_space<vmem>> -> memref<1x100x128xf32, #tpu.memory_space<vmem>>
        %dma_start3A_993 = tpu.memref_squeeze %dma_start3A_992 : memref<1x100x128xf32, #tpu.memory_space<vmem>> -> memref<100x128xf32, #tpu.memory_space<vmem>>
        %dma_start3A_994 = arith.constant 0 : i32
        %dma_start3A_995 = tpu.memref_slice %arg5[%sub3A_610, %dma_start3A_994] : memref<64x100xi32, #tpu.memory_space<vmem>> -> memref<1x100xi32, #tpu.memory_space<vmem>>
        %dma_start3A_996 = tpu.memref_squeeze %dma_start3A_995 : memref<1x100xi32, #tpu.memory_space<vmem>> -> memref<100xi32, #tpu.memory_space<vmem>>
        %dma_start3A_997 = arith.constant 0 : i32
        %dma_start3A_998 = arith.constant 0 : i32
        %dma_start3A_999 = tpu.memref_slice %arg2[%dma_start3A_997, %dma_start3A_998] : memref<100000x128xf32, #tpu.memory_space<hbm>> -> memref<100000x128xf32, #tpu.memory_space<hbm>>
        tpu.enqueue_indirect_dma source(%dma_start3A_999 : memref<100000x128xf32, #tpu.memory_space<hbm>>) target(%dma_start3A_993 : memref<100x128xf32, #tpu.memory_space<vmem>>) offsets(%dma_start3A_996 : memref<100xi32, #tpu.memory_space<vmem>>) semaphore(%arg7 : memref<!tpu.dma_semaphore, #tpu.memory_space<semaphore_mem>>)
      } else {
      }
      %mul3A_624 = arith.constant 8 : i32
      %mul3A_625 = arith.muli %scan3A_410, %mul3A_624 : i32
      %add3A_626 = arith.constant 3 : i32
      %add3A_627 = arith.addi %mul3A_625, %add3A_626 : i32
      %dma_wait3A_628 = arith.constant 3 : i32
      %dma_wait3A_629 = arith.constant 0 : i32
      %dma_wait3A_630 = arith.constant 0 : i32
      %dma_wait3A_631 = tpu.memref_slice %arg6[%dma_wait3A_628, %dma_wait3A_629, %dma_wait3A_630] : memref<8x100x128xf32, #tpu.memory_space<vmem>> -> memref<1x100x128xf32, #tpu.memory_space<vmem>>
      %dma_wait3A_632 = tpu.memref_squeeze %dma_wait3A_631 : memref<1x100x128xf32, #tpu.memory_space<vmem>> -> memref<100x128xf32, #tpu.memory_space<vmem>>
      %dma_wait3A_633 = arith.constant 0 : i32
      %dma_wait3A_634 = tpu.memref_slice %arg5[%add3A_627, %dma_wait3A_633] : memref<64x100xi32, #tpu.memory_space<vmem>> -> memref<1x100xi32, #tpu.memory_space<vmem>>
      %dma_wait3A_635 = tpu.memref_squeeze %dma_wait3A_634 : memref<1x100xi32, #tpu.memory_space<vmem>> -> memref<100xi32, #tpu.memory_space<vmem>>
      %dma_wait3A_636 = arith.constant 0 : i32
      %dma_wait3A_637 = arith.constant 0 : i32
      %dma_wait3A_638 = tpu.memref_slice %arg2[%dma_wait3A_636, %dma_wait3A_637] : memref<100000x128xf32, #tpu.memory_space<hbm>> -> memref<100000x128xf32, #tpu.memory_space<hbm>>
      tpu.wait_indirect_dma semaphore(%arg7 : memref<!tpu.dma_semaphore, #tpu.memory_space<semaphore_mem>>) src(%dma_wait3A_638 : memref<100000x128xf32, #tpu.memory_space<hbm>>) dst(%dma_wait3A_632 : memref<100x128xf32, #tpu.memory_space<vmem>>)
      %mul3A_639 = arith.constant 2 : i32
      %mul3A_640 = arith.muli %add3A_627, %mul3A_639 : i32
      %add3A_641 = arith.addi %mul3A_2, %mul3A_640 : i32
      %add3A_642 = arith.constant 0 : i32
      %add3A_643 = arith.addi %add3A_641, %add3A_642 : i32
      %dma_start3A_644 = arith.constant 3 : i32
      %dma_start3A_645 = arith.constant 0 : i32
      %dma_start3A_646 = arith.constant 0 : i32
      %dma_start3A_647 = tpu.memref_slice %arg6[%dma_start3A_644, %dma_start3A_645, %dma_start3A_646] : memref<8x100x128xf32, #tpu.memory_space<vmem>> -> memref<1x50x128xf32, #tpu.memory_space<vmem>>
      %dma_start3A_648 = tpu.memref_squeeze %dma_start3A_647 : memref<1x50x128xf32, #tpu.memory_space<vmem>> -> memref<50x128xf32, #tpu.memory_space<vmem>>
      %dma_start3A_649 = arith.constant 0 : i32
      %dma_start3A_650 = arith.constant 0 : i32
      %dma_start3A_651 = tpu.memref_slice %arg4[%dma_start3A_649, %add3A_643, %dma_start3A_650] : memref<50x4096x128xf32, #tpu.memory_space<hbm>> -> memref<50x1x128xf32, #tpu.memory_space<hbm>>
      %dma_start3A_652 = tpu.memref_squeeze %dma_start3A_651 : memref<50x1x128xf32, #tpu.memory_space<hbm>> -> memref<50x128xf32, #tpu.memory_space<hbm>>
      %dma_start3A_653 = arith.constant 0 : i32
      %dma_start3A_654 = arith.constant 0 : i32
      %dma_start3A_655 = tpu.memref_slice %arg4[%dma_start3A_653, %add3A_643, %dma_start3A_654] : memref<50x4096x128xf32, #tpu.memory_space<hbm>> -> memref<50x1x128xf32, #tpu.memory_space<hbm>>
      %dma_start3A_656 = tpu.memref_squeeze %dma_start3A_655 : memref<50x1x128xf32, #tpu.memory_space<hbm>> -> memref<50x128xf32, #tpu.memory_space<hbm>>
      %dma_start3A_657 = arith.constant 0 : i32
      %dma_start3A_658 = arith.constant 0 : i32
      %dma_start3A_659 = tpu.memref_slice %arg6[%dma_start3A_644, %dma_start3A_657, %dma_start3A_658] : memref<8x100x128xf32, #tpu.memory_space<vmem>> -> memref<1x50x128xf32, #tpu.memory_space<vmem>>
      %dma_start3A_660 = tpu.memref_squeeze %dma_start3A_659 : memref<1x50x128xf32, #tpu.memory_space<vmem>> -> memref<50x128xf32, #tpu.memory_space<vmem>>
      tpu.enqueue_dma source(%dma_start3A_660 : memref<50x128xf32, #tpu.memory_space<vmem>>) target(%dma_start3A_656 : memref<50x128xf32, #tpu.memory_space<hbm>>) target_semaphore(%arg8 : memref<!tpu.dma_semaphore, #tpu.memory_space<semaphore_mem>>)
      %add3A_661 = arith.constant 1 : i32
      %add3A_662 = arith.addi %add3A_641, %add3A_661 : i32
      %dma_start3A_663 = arith.constant 3 : i32
      %dma_start3A_664 = arith.constant 50 : i32
      %dma_start3A_665 = arith.constant 0 : i32
      %dma_start3A_666 = tpu.memref_slice %arg6[%dma_start3A_663, %dma_start3A_664, %dma_start3A_665] : memref<8x100x128xf32, #tpu.memory_space<vmem>> -> memref<1x50x128xf32, #tpu.memory_space<vmem>>
      %dma_start3A_667 = tpu.memref_squeeze %dma_start3A_666 : memref<1x50x128xf32, #tpu.memory_space<vmem>> -> memref<50x128xf32, #tpu.memory_space<vmem>>
      %dma_start3A_668 = arith.constant 0 : i32
      %dma_start3A_669 = arith.constant 0 : i32
      %dma_start3A_670 = tpu.memref_slice %arg4[%dma_start3A_668, %add3A_662, %dma_start3A_669] : memref<50x4096x128xf32, #tpu.memory_space<hbm>> -> memref<50x1x128xf32, #tpu.memory_space<hbm>>
      %dma_start3A_671 = tpu.memref_squeeze %dma_start3A_670 : memref<50x1x128xf32, #tpu.memory_space<hbm>> -> memref<50x128xf32, #tpu.memory_space<hbm>>
      %dma_start3A_672 = arith.constant 0 : i32
      %dma_start3A_673 = arith.constant 0 : i32
      %dma_start3A_674 = tpu.memref_slice %arg4[%dma_start3A_672, %add3A_662, %dma_start3A_673] : memref<50x4096x128xf32, #tpu.memory_space<hbm>> -> memref<50x1x128xf32, #tpu.memory_space<hbm>>
      %dma_start3A_675 = tpu.memref_squeeze %dma_start3A_674 : memref<50x1x128xf32, #tpu.memory_space<hbm>> -> memref<50x128xf32, #tpu.memory_space<hbm>>
      %dma_start3A_676 = arith.constant 50 : i32
      %dma_start3A_677 = arith.constant 0 : i32
      %dma_start3A_678 = tpu.memref_slice %arg6[%dma_start3A_663, %dma_start3A_676, %dma_start3A_677] : memref<8x100x128xf32, #tpu.memory_space<vmem>> -> memref<1x50x128xf32, #tpu.memory_space<vmem>>
      %dma_start3A_679 = tpu.memref_squeeze %dma_start3A_678 : memref<1x50x128xf32, #tpu.memory_space<vmem>> -> memref<50x128xf32, #tpu.memory_space<vmem>>
      tpu.enqueue_dma source(%dma_start3A_679 : memref<50x128xf32, #tpu.memory_space<vmem>>) target(%dma_start3A_675 : memref<50x128xf32, #tpu.memory_space<hbm>>) target_semaphore(%arg8 : memref<!tpu.dma_semaphore, #tpu.memory_space<semaphore_mem>>)
      %add3A_680 = arith.constant 8 : i32
      %add3A_681 = arith.addi %add3A_627, %add3A_680 : i32
      %sub3A_682 = arith.constant 1 : i32
      %sub3A_683 = arith.subi %add3A_681, %sub3A_682 : i32
      %lt3A_684 = arith.constant 64 : i32
      %lt3A_685 = arith.cmpi slt, %sub3A_683, %lt3A_684 : i32
      %ge3A_686 = arith.constant 1 : i32
      %ge3A_687 = arith.cmpi sge, %add3A_627, %ge3A_686 : i32
      %and3A_688 = arith.andi %lt3A_685, %ge3A_687 : i1
      %convert_element_type3A_689 = arith.extui %and3A_688 : i1 to i32
      %cond3A_690 = arith.constant 0 : i32
      %cond3A_691 = arith.cmpi ne, %convert_element_type3A_689, %cond3A_690 : i32
      scf.if %cond3A_691 {
        %sub3A_989 = arith.constant 1 : i32
        %sub3A_990 = arith.subi %add3A_627, %sub3A_989 : i32
        %mul3A_991 = arith.constant 2 : i32
        %mul3A_992 = arith.muli %sub3A_990, %mul3A_991 : i32
        %add3A_993 = arith.addi %mul3A_2, %mul3A_992 : i32
        %add3A_994 = arith.constant 0 : i32
        %add3A_995 = arith.addi %add3A_993, %add3A_994 : i32
        %dma_wait3A_996 = arith.constant 2 : i32
        %dma_wait3A_997 = arith.constant 0 : i32
        %dma_wait3A_998 = arith.constant 0 : i32
        %dma_wait3A_999 = tpu.memref_slice %arg6[%dma_wait3A_996, %dma_wait3A_997, %dma_wait3A_998] : memref<8x100x128xf32, #tpu.memory_space<vmem>> -> memref<1x50x128xf32, #tpu.memory_space<vmem>>
        %dma_wait3A_1000 = tpu.memref_squeeze %dma_wait3A_999 : memref<1x50x128xf32, #tpu.memory_space<vmem>> -> memref<50x128xf32, #tpu.memory_space<vmem>>
        %dma_wait3A_1001 = arith.constant 0 : i32
        %dma_wait3A_1002 = arith.constant 0 : i32
        %dma_wait3A_1003 = tpu.memref_slice %arg4[%dma_wait3A_1001, %add3A_995, %dma_wait3A_1002] : memref<50x4096x128xf32, #tpu.memory_space<hbm>> -> memref<50x1x128xf32, #tpu.memory_space<hbm>>
        %dma_wait3A_1004 = tpu.memref_squeeze %dma_wait3A_1003 : memref<50x1x128xf32, #tpu.memory_space<hbm>> -> memref<50x128xf32, #tpu.memory_space<hbm>>
        %dma_wait3A_1005 = arith.constant 0 : i32
        %dma_wait3A_1006 = arith.constant 0 : i32
        %dma_wait3A_1007 = tpu.memref_slice %arg4[%dma_wait3A_1005, %add3A_995, %dma_wait3A_1006] : memref<50x4096x128xf32, #tpu.memory_space<hbm>> -> memref<50x1x128xf32, #tpu.memory_space<hbm>>
        %dma_wait3A_1008 = tpu.memref_squeeze %dma_wait3A_1007 : memref<50x1x128xf32, #tpu.memory_space<hbm>> -> memref<50x128xf32, #tpu.memory_space<hbm>>
        %dma_wait3A_1009 = arith.constant 0 : i32
        %dma_wait3A_1010 = arith.constant 0 : i32
        %dma_wait3A_1011 = tpu.memref_slice %arg6[%dma_wait3A_996, %dma_wait3A_1009, %dma_wait3A_1010] : memref<8x100x128xf32, #tpu.memory_space<vmem>> -> memref<1x50x128xf32, #tpu.memory_space<vmem>>
        %dma_wait3A_1012 = tpu.memref_squeeze %dma_wait3A_1011 : memref<1x50x128xf32, #tpu.memory_space<vmem>> -> memref<50x128xf32, #tpu.memory_space<vmem>>
        tpu.wait_dma2 semaphore(%arg8 : memref<!tpu.dma_semaphore, #tpu.memory_space<semaphore_mem>>) src(%dma_wait3A_1012 : memref<50x128xf32, #tpu.memory_space<vmem>>) dst(%dma_wait3A_1008 : memref<50x128xf32, #tpu.memory_space<hbm>>)
        %add3A_1013 = arith.constant 1 : i32
        %add3A_1014 = arith.addi %add3A_993, %add3A_1013 : i32
        %dma_wait3A_1015 = arith.constant 2 : i32
        %dma_wait3A_1016 = arith.constant 50 : i32
        %dma_wait3A_1017 = arith.constant 0 : i32
        %dma_wait3A_1018 = tpu.memref_slice %arg6[%dma_wait3A_1015, %dma_wait3A_1016, %dma_wait3A_1017] : memref<8x100x128xf32, #tpu.memory_space<vmem>> -> memref<1x50x128xf32, #tpu.memory_space<vmem>>
        %dma_wait3A_1019 = tpu.memref_squeeze %dma_wait3A_1018 : memref<1x50x128xf32, #tpu.memory_space<vmem>> -> memref<50x128xf32, #tpu.memory_space<vmem>>
        %dma_wait3A_1020 = arith.constant 0 : i32
        %dma_wait3A_1021 = arith.constant 0 : i32
        %dma_wait3A_1022 = tpu.memref_slice %arg4[%dma_wait3A_1020, %add3A_1014, %dma_wait3A_1021] : memref<50x4096x128xf32, #tpu.memory_space<hbm>> -> memref<50x1x128xf32, #tpu.memory_space<hbm>>
        %dma_wait3A_1023 = tpu.memref_squeeze %dma_wait3A_1022 : memref<50x1x128xf32, #tpu.memory_space<hbm>> -> memref<50x128xf32, #tpu.memory_space<hbm>>
        %dma_wait3A_1024 = arith.constant 0 : i32
        %dma_wait3A_1025 = arith.constant 0 : i32
        %dma_wait3A_1026 = tpu.memref_slice %arg4[%dma_wait3A_1024, %add3A_1014, %dma_wait3A_1025] : memref<50x4096x128xf32, #tpu.memory_space<hbm>> -> memref<50x1x128xf32, #tpu.memory_space<hbm>>
        %dma_wait3A_1027 = tpu.memref_squeeze %dma_wait3A_1026 : memref<50x1x128xf32, #tpu.memory_space<hbm>> -> memref<50x128xf32, #tpu.memory_space<hbm>>
        %dma_wait3A_1028 = arith.constant 50 : i32
        %dma_wait3A_1029 = arith.constant 0 : i32
        %dma_wait3A_1030 = tpu.memref_slice %arg6[%dma_wait3A_1015, %dma_wait3A_1028, %dma_wait3A_1029] : memref<8x100x128xf32, #tpu.memory_space<vmem>> -> memref<1x50x128xf32, #tpu.memory_space<vmem>>
        %dma_wait3A_1031 = tpu.memref_squeeze %dma_wait3A_1030 : memref<1x50x128xf32, #tpu.memory_space<vmem>> -> memref<50x128xf32, #tpu.memory_space<vmem>>
        tpu.wait_dma2 semaphore(%arg8 : memref<!tpu.dma_semaphore, #tpu.memory_space<semaphore_mem>>) src(%dma_wait3A_1031 : memref<50x128xf32, #tpu.memory_space<vmem>>) dst(%dma_wait3A_1027 : memref<50x128xf32, #tpu.memory_space<hbm>>)
      } else {
      }
      %lt3A_692 = arith.constant 64 : i32
      %lt3A_693 = arith.cmpi slt, %sub3A_683, %lt3A_692 : i32
      %convert_element_type3A_694 = arith.extui %lt3A_693 : i1 to i32
      %cond3A_695 = arith.constant 0 : i32
      %cond3A_696 = arith.cmpi ne, %convert_element_type3A_694, %cond3A_695 : i32
      scf.if %cond3A_696 {
        %dma_start3A_989 = arith.constant 2 : i32
        %dma_start3A_990 = arith.constant 0 : i32
        %dma_start3A_991 = arith.constant 0 : i32
        %dma_start3A_992 = tpu.memref_slice %arg6[%dma_start3A_989, %dma_start3A_990, %dma_start3A_991] : memref<8x100x128xf32, #tpu.memory_space<vmem>> -> memref<1x100x128xf32, #tpu.memory_space<vmem>>
        %dma_start3A_993 = tpu.memref_squeeze %dma_start3A_992 : memref<1x100x128xf32, #tpu.memory_space<vmem>> -> memref<100x128xf32, #tpu.memory_space<vmem>>
        %dma_start3A_994 = arith.constant 0 : i32
        %dma_start3A_995 = tpu.memref_slice %arg5[%sub3A_683, %dma_start3A_994] : memref<64x100xi32, #tpu.memory_space<vmem>> -> memref<1x100xi32, #tpu.memory_space<vmem>>
        %dma_start3A_996 = tpu.memref_squeeze %dma_start3A_995 : memref<1x100xi32, #tpu.memory_space<vmem>> -> memref<100xi32, #tpu.memory_space<vmem>>
        %dma_start3A_997 = arith.constant 0 : i32
        %dma_start3A_998 = arith.constant 0 : i32
        %dma_start3A_999 = tpu.memref_slice %arg2[%dma_start3A_997, %dma_start3A_998] : memref<100000x128xf32, #tpu.memory_space<hbm>> -> memref<100000x128xf32, #tpu.memory_space<hbm>>
        tpu.enqueue_indirect_dma source(%dma_start3A_999 : memref<100000x128xf32, #tpu.memory_space<hbm>>) target(%dma_start3A_993 : memref<100x128xf32, #tpu.memory_space<vmem>>) offsets(%dma_start3A_996 : memref<100xi32, #tpu.memory_space<vmem>>) semaphore(%arg7 : memref<!tpu.dma_semaphore, #tpu.memory_space<semaphore_mem>>)
      } else {
      }
      %mul3A_697 = arith.constant 8 : i32
      %mul3A_698 = arith.muli %scan3A_410, %mul3A_697 : i32
      %add3A_699 = arith.constant 4 : i32
      %add3A_700 = arith.addi %mul3A_698, %add3A_699 : i32
      %dma_wait3A_701 = arith.constant 4 : i32
      %dma_wait3A_702 = arith.constant 0 : i32
      %dma_wait3A_703 = arith.constant 0 : i32
      %dma_wait3A_704 = tpu.memref_slice %arg6[%dma_wait3A_701, %dma_wait3A_702, %dma_wait3A_703] : memref<8x100x128xf32, #tpu.memory_space<vmem>> -> memref<1x100x128xf32, #tpu.memory_space<vmem>>
      %dma_wait3A_705 = tpu.memref_squeeze %dma_wait3A_704 : memref<1x100x128xf32, #tpu.memory_space<vmem>> -> memref<100x128xf32, #tpu.memory_space<vmem>>
      %dma_wait3A_706 = arith.constant 0 : i32
      %dma_wait3A_707 = tpu.memref_slice %arg5[%add3A_700, %dma_wait3A_706] : memref<64x100xi32, #tpu.memory_space<vmem>> -> memref<1x100xi32, #tpu.memory_space<vmem>>
      %dma_wait3A_708 = tpu.memref_squeeze %dma_wait3A_707 : memref<1x100xi32, #tpu.memory_space<vmem>> -> memref<100xi32, #tpu.memory_space<vmem>>
      %dma_wait3A_709 = arith.constant 0 : i32
      %dma_wait3A_710 = arith.constant 0 : i32
      %dma_wait3A_711 = tpu.memref_slice %arg2[%dma_wait3A_709, %dma_wait3A_710] : memref<100000x128xf32, #tpu.memory_space<hbm>> -> memref<100000x128xf32, #tpu.memory_space<hbm>>
      tpu.wait_indirect_dma semaphore(%arg7 : memref<!tpu.dma_semaphore, #tpu.memory_space<semaphore_mem>>) src(%dma_wait3A_711 : memref<100000x128xf32, #tpu.memory_space<hbm>>) dst(%dma_wait3A_705 : memref<100x128xf32, #tpu.memory_space<vmem>>)
      %mul3A_712 = arith.constant 2 : i32
      %mul3A_713 = arith.muli %add3A_700, %mul3A_712 : i32
      %add3A_714 = arith.addi %mul3A_2, %mul3A_713 : i32
      %add3A_715 = arith.constant 0 : i32
      %add3A_716 = arith.addi %add3A_714, %add3A_715 : i32
      %dma_start3A_717 = arith.constant 4 : i32
      %dma_start3A_718 = arith.constant 0 : i32
      %dma_start3A_719 = arith.constant 0 : i32
      %dma_start3A_720 = tpu.memref_slice %arg6[%dma_start3A_717, %dma_start3A_718, %dma_start3A_719] : memref<8x100x128xf32, #tpu.memory_space<vmem>> -> memref<1x50x128xf32, #tpu.memory_space<vmem>>
      %dma_start3A_721 = tpu.memref_squeeze %dma_start3A_720 : memref<1x50x128xf32, #tpu.memory_space<vmem>> -> memref<50x128xf32, #tpu.memory_space<vmem>>
      %dma_start3A_722 = arith.constant 0 : i32
      %dma_start3A_723 = arith.constant 0 : i32
      %dma_start3A_724 = tpu.memref_slice %arg4[%dma_start3A_722, %add3A_716, %dma_start3A_723] : memref<50x4096x128xf32, #tpu.memory_space<hbm>> -> memref<50x1x128xf32, #tpu.memory_space<hbm>>
      %dma_start3A_725 = tpu.memref_squeeze %dma_start3A_724 : memref<50x1x128xf32, #tpu.memory_space<hbm>> -> memref<50x128xf32, #tpu.memory_space<hbm>>
      %dma_start3A_726 = arith.constant 0 : i32
      %dma_start3A_727 = arith.constant 0 : i32
      %dma_start3A_728 = tpu.memref_slice %arg4[%dma_start3A_726, %add3A_716, %dma_start3A_727] : memref<50x4096x128xf32, #tpu.memory_space<hbm>> -> memref<50x1x128xf32, #tpu.memory_space<hbm>>
      %dma_start3A_729 = tpu.memref_squeeze %dma_start3A_728 : memref<50x1x128xf32, #tpu.memory_space<hbm>> -> memref<50x128xf32, #tpu.memory_space<hbm>>
      %dma_start3A_730 = arith.constant 0 : i32
      %dma_start3A_731 = arith.constant 0 : i32
      %dma_start3A_732 = tpu.memref_slice %arg6[%dma_start3A_717, %dma_start3A_730, %dma_start3A_731] : memref<8x100x128xf32, #tpu.memory_space<vmem>> -> memref<1x50x128xf32, #tpu.memory_space<vmem>>
      %dma_start3A_733 = tpu.memref_squeeze %dma_start3A_732 : memref<1x50x128xf32, #tpu.memory_space<vmem>> -> memref<50x128xf32, #tpu.memory_space<vmem>>
      tpu.enqueue_dma source(%dma_start3A_733 : memref<50x128xf32, #tpu.memory_space<vmem>>) target(%dma_start3A_729 : memref<50x128xf32, #tpu.memory_space<hbm>>) target_semaphore(%arg8 : memref<!tpu.dma_semaphore, #tpu.memory_space<semaphore_mem>>)
      %add3A_734 = arith.constant 1 : i32
      %add3A_735 = arith.addi %add3A_714, %add3A_734 : i32
      %dma_start3A_736 = arith.constant 4 : i32
      %dma_start3A_737 = arith.constant 50 : i32
      %dma_start3A_738 = arith.constant 0 : i32
      %dma_start3A_739 = tpu.memref_slice %arg6[%dma_start3A_736, %dma_start3A_737, %dma_start3A_738] : memref<8x100x128xf32, #tpu.memory_space<vmem>> -> memref<1x50x128xf32, #tpu.memory_space<vmem>>
      %dma_start3A_740 = tpu.memref_squeeze %dma_start3A_739 : memref<1x50x128xf32, #tpu.memory_space<vmem>> -> memref<50x128xf32, #tpu.memory_space<vmem>>
      %dma_start3A_741 = arith.constant 0 : i32
      %dma_start3A_742 = arith.constant 0 : i32
      %dma_start3A_743 = tpu.memref_slice %arg4[%dma_start3A_741, %add3A_735, %dma_start3A_742] : memref<50x4096x128xf32, #tpu.memory_space<hbm>> -> memref<50x1x128xf32, #tpu.memory_space<hbm>>
      %dma_start3A_744 = tpu.memref_squeeze %dma_start3A_743 : memref<50x1x128xf32, #tpu.memory_space<hbm>> -> memref<50x128xf32, #tpu.memory_space<hbm>>
      %dma_start3A_745 = arith.constant 0 : i32
      %dma_start3A_746 = arith.constant 0 : i32
      %dma_start3A_747 = tpu.memref_slice %arg4[%dma_start3A_745, %add3A_735, %dma_start3A_746] : memref<50x4096x128xf32, #tpu.memory_space<hbm>> -> memref<50x1x128xf32, #tpu.memory_space<hbm>>
      %dma_start3A_748 = tpu.memref_squeeze %dma_start3A_747 : memref<50x1x128xf32, #tpu.memory_space<hbm>> -> memref<50x128xf32, #tpu.memory_space<hbm>>
      %dma_start3A_749 = arith.constant 50 : i32
      %dma_start3A_750 = arith.constant 0 : i32
      %dma_start3A_751 = tpu.memref_slice %arg6[%dma_start3A_736, %dma_start3A_749, %dma_start3A_750] : memref<8x100x128xf32, #tpu.memory_space<vmem>> -> memref<1x50x128xf32, #tpu.memory_space<vmem>>
      %dma_start3A_752 = tpu.memref_squeeze %dma_start3A_751 : memref<1x50x128xf32, #tpu.memory_space<vmem>> -> memref<50x128xf32, #tpu.memory_space<vmem>>
      tpu.enqueue_dma source(%dma_start3A_752 : memref<50x128xf32, #tpu.memory_space<vmem>>) target(%dma_start3A_748 : memref<50x128xf32, #tpu.memory_space<hbm>>) target_semaphore(%arg8 : memref<!tpu.dma_semaphore, #tpu.memory_space<semaphore_mem>>)
      %add3A_753 = arith.constant 8 : i32
      %add3A_754 = arith.addi %add3A_700, %add3A_753 : i32
      %sub3A_755 = arith.constant 1 : i32
      %sub3A_756 = arith.subi %add3A_754, %sub3A_755 : i32
      %lt3A_757 = arith.constant 64 : i32
      %lt3A_758 = arith.cmpi slt, %sub3A_756, %lt3A_757 : i32
      %ge3A_759 = arith.constant 1 : i32
      %ge3A_760 = arith.cmpi sge, %add3A_700, %ge3A_759 : i32
      %and3A_761 = arith.andi %lt3A_758, %ge3A_760 : i1
      %convert_element_type3A_762 = arith.extui %and3A_761 : i1 to i32
      %cond3A_763 = arith.constant 0 : i32
      %cond3A_764 = arith.cmpi ne, %convert_element_type3A_762, %cond3A_763 : i32
      scf.if %cond3A_764 {
        %sub3A_989 = arith.constant 1 : i32
        %sub3A_990 = arith.subi %add3A_700, %sub3A_989 : i32
        %mul3A_991 = arith.constant 2 : i32
        %mul3A_992 = arith.muli %sub3A_990, %mul3A_991 : i32
        %add3A_993 = arith.addi %mul3A_2, %mul3A_992 : i32
        %add3A_994 = arith.constant 0 : i32
        %add3A_995 = arith.addi %add3A_993, %add3A_994 : i32
        %dma_wait3A_996 = arith.constant 3 : i32
        %dma_wait3A_997 = arith.constant 0 : i32
        %dma_wait3A_998 = arith.constant 0 : i32
        %dma_wait3A_999 = tpu.memref_slice %arg6[%dma_wait3A_996, %dma_wait3A_997, %dma_wait3A_998] : memref<8x100x128xf32, #tpu.memory_space<vmem>> -> memref<1x50x128xf32, #tpu.memory_space<vmem>>
        %dma_wait3A_1000 = tpu.memref_squeeze %dma_wait3A_999 : memref<1x50x128xf32, #tpu.memory_space<vmem>> -> memref<50x128xf32, #tpu.memory_space<vmem>>
        %dma_wait3A_1001 = arith.constant 0 : i32
        %dma_wait3A_1002 = arith.constant 0 : i32
        %dma_wait3A_1003 = tpu.memref_slice %arg4[%dma_wait3A_1001, %add3A_995, %dma_wait3A_1002] : memref<50x4096x128xf32, #tpu.memory_space<hbm>> -> memref<50x1x128xf32, #tpu.memory_space<hbm>>
        %dma_wait3A_1004 = tpu.memref_squeeze %dma_wait3A_1003 : memref<50x1x128xf32, #tpu.memory_space<hbm>> -> memref<50x128xf32, #tpu.memory_space<hbm>>
        %dma_wait3A_1005 = arith.constant 0 : i32
        %dma_wait3A_1006 = arith.constant 0 : i32
        %dma_wait3A_1007 = tpu.memref_slice %arg4[%dma_wait3A_1005, %add3A_995, %dma_wait3A_1006] : memref<50x4096x128xf32, #tpu.memory_space<hbm>> -> memref<50x1x128xf32, #tpu.memory_space<hbm>>
        %dma_wait3A_1008 = tpu.memref_squeeze %dma_wait3A_1007 : memref<50x1x128xf32, #tpu.memory_space<hbm>> -> memref<50x128xf32, #tpu.memory_space<hbm>>
        %dma_wait3A_1009 = arith.constant 0 : i32
        %dma_wait3A_1010 = arith.constant 0 : i32
        %dma_wait3A_1011 = tpu.memref_slice %arg6[%dma_wait3A_996, %dma_wait3A_1009, %dma_wait3A_1010] : memref<8x100x128xf32, #tpu.memory_space<vmem>> -> memref<1x50x128xf32, #tpu.memory_space<vmem>>
        %dma_wait3A_1012 = tpu.memref_squeeze %dma_wait3A_1011 : memref<1x50x128xf32, #tpu.memory_space<vmem>> -> memref<50x128xf32, #tpu.memory_space<vmem>>
        tpu.wait_dma2 semaphore(%arg8 : memref<!tpu.dma_semaphore, #tpu.memory_space<semaphore_mem>>) src(%dma_wait3A_1012 : memref<50x128xf32, #tpu.memory_space<vmem>>) dst(%dma_wait3A_1008 : memref<50x128xf32, #tpu.memory_space<hbm>>)
        %add3A_1013 = arith.constant 1 : i32
        %add3A_1014 = arith.addi %add3A_993, %add3A_1013 : i32
        %dma_wait3A_1015 = arith.constant 3 : i32
        %dma_wait3A_1016 = arith.constant 50 : i32
        %dma_wait3A_1017 = arith.constant 0 : i32
        %dma_wait3A_1018 = tpu.memref_slice %arg6[%dma_wait3A_1015, %dma_wait3A_1016, %dma_wait3A_1017] : memref<8x100x128xf32, #tpu.memory_space<vmem>> -> memref<1x50x128xf32, #tpu.memory_space<vmem>>
        %dma_wait3A_1019 = tpu.memref_squeeze %dma_wait3A_1018 : memref<1x50x128xf32, #tpu.memory_space<vmem>> -> memref<50x128xf32, #tpu.memory_space<vmem>>
        %dma_wait3A_1020 = arith.constant 0 : i32
        %dma_wait3A_1021 = arith.constant 0 : i32
        %dma_wait3A_1022 = tpu.memref_slice %arg4[%dma_wait3A_1020, %add3A_1014, %dma_wait3A_1021] : memref<50x4096x128xf32, #tpu.memory_space<hbm>> -> memref<50x1x128xf32, #tpu.memory_space<hbm>>
        %dma_wait3A_1023 = tpu.memref_squeeze %dma_wait3A_1022 : memref<50x1x128xf32, #tpu.memory_space<hbm>> -> memref<50x128xf32, #tpu.memory_space<hbm>>
        %dma_wait3A_1024 = arith.constant 0 : i32
        %dma_wait3A_1025 = arith.constant 0 : i32
        %dma_wait3A_1026 = tpu.memref_slice %arg4[%dma_wait3A_1024, %add3A_1014, %dma_wait3A_1025] : memref<50x4096x128xf32, #tpu.memory_space<hbm>> -> memref<50x1x128xf32, #tpu.memory_space<hbm>>
        %dma_wait3A_1027 = tpu.memref_squeeze %dma_wait3A_1026 : memref<50x1x128xf32, #tpu.memory_space<hbm>> -> memref<50x128xf32, #tpu.memory_space<hbm>>
        %dma_wait3A_1028 = arith.constant 50 : i32
        %dma_wait3A_1029 = arith.constant 0 : i32
        %dma_wait3A_1030 = tpu.memref_slice %arg6[%dma_wait3A_1015, %dma_wait3A_1028, %dma_wait3A_1029] : memref<8x100x128xf32, #tpu.memory_space<vmem>> -> memref<1x50x128xf32, #tpu.memory_space<vmem>>
        %dma_wait3A_1031 = tpu.memref_squeeze %dma_wait3A_1030 : memref<1x50x128xf32, #tpu.memory_space<vmem>> -> memref<50x128xf32, #tpu.memory_space<vmem>>
        tpu.wait_dma2 semaphore(%arg8 : memref<!tpu.dma_semaphore, #tpu.memory_space<semaphore_mem>>) src(%dma_wait3A_1031 : memref<50x128xf32, #tpu.memory_space<vmem>>) dst(%dma_wait3A_1027 : memref<50x128xf32, #tpu.memory_space<hbm>>)
      } else {
      }
      %lt3A_765 = arith.constant 64 : i32
      %lt3A_766 = arith.cmpi slt, %sub3A_756, %lt3A_765 : i32
      %convert_element_type3A_767 = arith.extui %lt3A_766 : i1 to i32
      %cond3A_768 = arith.constant 0 : i32
      %cond3A_769 = arith.cmpi ne, %convert_element_type3A_767, %cond3A_768 : i32
      scf.if %cond3A_769 {
        %dma_start3A_989 = arith.constant 3 : i32
        %dma_start3A_990 = arith.constant 0 : i32
        %dma_start3A_991 = arith.constant 0 : i32
        %dma_start3A_992 = tpu.memref_slice %arg6[%dma_start3A_989, %dma_start3A_990, %dma_start3A_991] : memref<8x100x128xf32, #tpu.memory_space<vmem>> -> memref<1x100x128xf32, #tpu.memory_space<vmem>>
        %dma_start3A_993 = tpu.memref_squeeze %dma_start3A_992 : memref<1x100x128xf32, #tpu.memory_space<vmem>> -> memref<100x128xf32, #tpu.memory_space<vmem>>
        %dma_start3A_994 = arith.constant 0 : i32
        %dma_start3A_995 = tpu.memref_slice %arg5[%sub3A_756, %dma_start3A_994] : memref<64x100xi32, #tpu.memory_space<vmem>> -> memref<1x100xi32, #tpu.memory_space<vmem>>
        %dma_start3A_996 = tpu.memref_squeeze %dma_start3A_995 : memref<1x100xi32, #tpu.memory_space<vmem>> -> memref<100xi32, #tpu.memory_space<vmem>>
        %dma_start3A_997 = arith.constant 0 : i32
        %dma_start3A_998 = arith.constant 0 : i32
        %dma_start3A_999 = tpu.memref_slice %arg2[%dma_start3A_997, %dma_start3A_998] : memref<100000x128xf32, #tpu.memory_space<hbm>> -> memref<100000x128xf32, #tpu.memory_space<hbm>>
        tpu.enqueue_indirect_dma source(%dma_start3A_999 : memref<100000x128xf32, #tpu.memory_space<hbm>>) target(%dma_start3A_993 : memref<100x128xf32, #tpu.memory_space<vmem>>) offsets(%dma_start3A_996 : memref<100xi32, #tpu.memory_space<vmem>>) semaphore(%arg7 : memref<!tpu.dma_semaphore, #tpu.memory_space<semaphore_mem>>)
      } else {
      }
      %mul3A_770 = arith.constant 8 : i32
      %mul3A_771 = arith.muli %scan3A_410, %mul3A_770 : i32
      %add3A_772 = arith.constant 5 : i32
      %add3A_773 = arith.addi %mul3A_771, %add3A_772 : i32
      %dma_wait3A_774 = arith.constant 5 : i32
      %dma_wait3A_775 = arith.constant 0 : i32
      %dma_wait3A_776 = arith.constant 0 : i32
      %dma_wait3A_777 = tpu.memref_slice %arg6[%dma_wait3A_774, %dma_wait3A_775, %dma_wait3A_776] : memref<8x100x128xf32, #tpu.memory_space<vmem>> -> memref<1x100x128xf32, #tpu.memory_space<vmem>>
      %dma_wait3A_778 = tpu.memref_squeeze %dma_wait3A_777 : memref<1x100x128xf32, #tpu.memory_space<vmem>> -> memref<100x128xf32, #tpu.memory_space<vmem>>
      %dma_wait3A_779 = arith.constant 0 : i32
      %dma_wait3A_780 = tpu.memref_slice %arg5[%add3A_773, %dma_wait3A_779] : memref<64x100xi32, #tpu.memory_space<vmem>> -> memref<1x100xi32, #tpu.memory_space<vmem>>
      %dma_wait3A_781 = tpu.memref_squeeze %dma_wait3A_780 : memref<1x100xi32, #tpu.memory_space<vmem>> -> memref<100xi32, #tpu.memory_space<vmem>>
      %dma_wait3A_782 = arith.constant 0 : i32
      %dma_wait3A_783 = arith.constant 0 : i32
      %dma_wait3A_784 = tpu.memref_slice %arg2[%dma_wait3A_782, %dma_wait3A_783] : memref<100000x128xf32, #tpu.memory_space<hbm>> -> memref<100000x128xf32, #tpu.memory_space<hbm>>
      tpu.wait_indirect_dma semaphore(%arg7 : memref<!tpu.dma_semaphore, #tpu.memory_space<semaphore_mem>>) src(%dma_wait3A_784 : memref<100000x128xf32, #tpu.memory_space<hbm>>) dst(%dma_wait3A_778 : memref<100x128xf32, #tpu.memory_space<vmem>>)
      %mul3A_785 = arith.constant 2 : i32
      %mul3A_786 = arith.muli %add3A_773, %mul3A_785 : i32
      %add3A_787 = arith.addi %mul3A_2, %mul3A_786 : i32
      %add3A_788 = arith.constant 0 : i32
      %add3A_789 = arith.addi %add3A_787, %add3A_788 : i32
      %dma_start3A_790 = arith.constant 5 : i32
      %dma_start3A_791 = arith.constant 0 : i32
      %dma_start3A_792 = arith.constant 0 : i32
      %dma_start3A_793 = tpu.memref_slice %arg6[%dma_start3A_790, %dma_start3A_791, %dma_start3A_792] : memref<8x100x128xf32, #tpu.memory_space<vmem>> -> memref<1x50x128xf32, #tpu.memory_space<vmem>>
      %dma_start3A_794 = tpu.memref_squeeze %dma_start3A_793 : memref<1x50x128xf32, #tpu.memory_space<vmem>> -> memref<50x128xf32, #tpu.memory_space<vmem>>
      %dma_start3A_795 = arith.constant 0 : i32
      %dma_start3A_796 = arith.constant 0 : i32
      %dma_start3A_797 = tpu.memref_slice %arg4[%dma_start3A_795, %add3A_789, %dma_start3A_796] : memref<50x4096x128xf32, #tpu.memory_space<hbm>> -> memref<50x1x128xf32, #tpu.memory_space<hbm>>
      %dma_start3A_798 = tpu.memref_squeeze %dma_start3A_797 : memref<50x1x128xf32, #tpu.memory_space<hbm>> -> memref<50x128xf32, #tpu.memory_space<hbm>>
      %dma_start3A_799 = arith.constant 0 : i32
      %dma_start3A_800 = arith.constant 0 : i32
      %dma_start3A_801 = tpu.memref_slice %arg4[%dma_start3A_799, %add3A_789, %dma_start3A_800] : memref<50x4096x128xf32, #tpu.memory_space<hbm>> -> memref<50x1x128xf32, #tpu.memory_space<hbm>>
      %dma_start3A_802 = tpu.memref_squeeze %dma_start3A_801 : memref<50x1x128xf32, #tpu.memory_space<hbm>> -> memref<50x128xf32, #tpu.memory_space<hbm>>
      %dma_start3A_803 = arith.constant 0 : i32
      %dma_start3A_804 = arith.constant 0 : i32
      %dma_start3A_805 = tpu.memref_slice %arg6[%dma_start3A_790, %dma_start3A_803, %dma_start3A_804] : memref<8x100x128xf32, #tpu.memory_space<vmem>> -> memref<1x50x128xf32, #tpu.memory_space<vmem>>
      %dma_start3A_806 = tpu.memref_squeeze %dma_start3A_805 : memref<1x50x128xf32, #tpu.memory_space<vmem>> -> memref<50x128xf32, #tpu.memory_space<vmem>>
      tpu.enqueue_dma source(%dma_start3A_806 : memref<50x128xf32, #tpu.memory_space<vmem>>) target(%dma_start3A_802 : memref<50x128xf32, #tpu.memory_space<hbm>>) target_semaphore(%arg8 : memref<!tpu.dma_semaphore, #tpu.memory_space<semaphore_mem>>)
      %add3A_807 = arith.constant 1 : i32
      %add3A_808 = arith.addi %add3A_787, %add3A_807 : i32
      %dma_start3A_809 = arith.constant 5 : i32
      %dma_start3A_810 = arith.constant 50 : i32
      %dma_start3A_811 = arith.constant 0 : i32
      %dma_start3A_812 = tpu.memref_slice %arg6[%dma_start3A_809, %dma_start3A_810, %dma_start3A_811] : memref<8x100x128xf32, #tpu.memory_space<vmem>> -> memref<1x50x128xf32, #tpu.memory_space<vmem>>
      %dma_start3A_813 = tpu.memref_squeeze %dma_start3A_812 : memref<1x50x128xf32, #tpu.memory_space<vmem>> -> memref<50x128xf32, #tpu.memory_space<vmem>>
      %dma_start3A_814 = arith.constant 0 : i32
      %dma_start3A_815 = arith.constant 0 : i32
      %dma_start3A_816 = tpu.memref_slice %arg4[%dma_start3A_814, %add3A_808, %dma_start3A_815] : memref<50x4096x128xf32, #tpu.memory_space<hbm>> -> memref<50x1x128xf32, #tpu.memory_space<hbm>>
      %dma_start3A_817 = tpu.memref_squeeze %dma_start3A_816 : memref<50x1x128xf32, #tpu.memory_space<hbm>> -> memref<50x128xf32, #tpu.memory_space<hbm>>
      %dma_start3A_818 = arith.constant 0 : i32
      %dma_start3A_819 = arith.constant 0 : i32
      %dma_start3A_820 = tpu.memref_slice %arg4[%dma_start3A_818, %add3A_808, %dma_start3A_819] : memref<50x4096x128xf32, #tpu.memory_space<hbm>> -> memref<50x1x128xf32, #tpu.memory_space<hbm>>
      %dma_start3A_821 = tpu.memref_squeeze %dma_start3A_820 : memref<50x1x128xf32, #tpu.memory_space<hbm>> -> memref<50x128xf32, #tpu.memory_space<hbm>>
      %dma_start3A_822 = arith.constant 50 : i32
      %dma_start3A_823 = arith.constant 0 : i32
      %dma_start3A_824 = tpu.memref_slice %arg6[%dma_start3A_809, %dma_start3A_822, %dma_start3A_823] : memref<8x100x128xf32, #tpu.memory_space<vmem>> -> memref<1x50x128xf32, #tpu.memory_space<vmem>>
      %dma_start3A_825 = tpu.memref_squeeze %dma_start3A_824 : memref<1x50x128xf32, #tpu.memory_space<vmem>> -> memref<50x128xf32, #tpu.memory_space<vmem>>
      tpu.enqueue_dma source(%dma_start3A_825 : memref<50x128xf32, #tpu.memory_space<vmem>>) target(%dma_start3A_821 : memref<50x128xf32, #tpu.memory_space<hbm>>) target_semaphore(%arg8 : memref<!tpu.dma_semaphore, #tpu.memory_space<semaphore_mem>>)
      %add3A_826 = arith.constant 8 : i32
      %add3A_827 = arith.addi %add3A_773, %add3A_826 : i32
      %sub3A_828 = arith.constant 1 : i32
      %sub3A_829 = arith.subi %add3A_827, %sub3A_828 : i32
      %lt3A_830 = arith.constant 64 : i32
      %lt3A_831 = arith.cmpi slt, %sub3A_829, %lt3A_830 : i32
      %ge3A_832 = arith.constant 1 : i32
      %ge3A_833 = arith.cmpi sge, %add3A_773, %ge3A_832 : i32
      %and3A_834 = arith.andi %lt3A_831, %ge3A_833 : i1
      %convert_element_type3A_835 = arith.extui %and3A_834 : i1 to i32
      %cond3A_836 = arith.constant 0 : i32
      %cond3A_837 = arith.cmpi ne, %convert_element_type3A_835, %cond3A_836 : i32
      scf.if %cond3A_837 {
        %sub3A_989 = arith.constant 1 : i32
        %sub3A_990 = arith.subi %add3A_773, %sub3A_989 : i32
        %mul3A_991 = arith.constant 2 : i32
        %mul3A_992 = arith.muli %sub3A_990, %mul3A_991 : i32
        %add3A_993 = arith.addi %mul3A_2, %mul3A_992 : i32
        %add3A_994 = arith.constant 0 : i32
        %add3A_995 = arith.addi %add3A_993, %add3A_994 : i32
        %dma_wait3A_996 = arith.constant 4 : i32
        %dma_wait3A_997 = arith.constant 0 : i32
        %dma_wait3A_998 = arith.constant 0 : i32
        %dma_wait3A_999 = tpu.memref_slice %arg6[%dma_wait3A_996, %dma_wait3A_997, %dma_wait3A_998] : memref<8x100x128xf32, #tpu.memory_space<vmem>> -> memref<1x50x128xf32, #tpu.memory_space<vmem>>
        %dma_wait3A_1000 = tpu.memref_squeeze %dma_wait3A_999 : memref<1x50x128xf32, #tpu.memory_space<vmem>> -> memref<50x128xf32, #tpu.memory_space<vmem>>
        %dma_wait3A_1001 = arith.constant 0 : i32
        %dma_wait3A_1002 = arith.constant 0 : i32
        %dma_wait3A_1003 = tpu.memref_slice %arg4[%dma_wait3A_1001, %add3A_995, %dma_wait3A_1002] : memref<50x4096x128xf32, #tpu.memory_space<hbm>> -> memref<50x1x128xf32, #tpu.memory_space<hbm>>
        %dma_wait3A_1004 = tpu.memref_squeeze %dma_wait3A_1003 : memref<50x1x128xf32, #tpu.memory_space<hbm>> -> memref<50x128xf32, #tpu.memory_space<hbm>>
        %dma_wait3A_1005 = arith.constant 0 : i32
        %dma_wait3A_1006 = arith.constant 0 : i32
        %dma_wait3A_1007 = tpu.memref_slice %arg4[%dma_wait3A_1005, %add3A_995, %dma_wait3A_1006] : memref<50x4096x128xf32, #tpu.memory_space<hbm>> -> memref<50x1x128xf32, #tpu.memory_space<hbm>>
        %dma_wait3A_1008 = tpu.memref_squeeze %dma_wait3A_1007 : memref<50x1x128xf32, #tpu.memory_space<hbm>> -> memref<50x128xf32, #tpu.memory_space<hbm>>
        %dma_wait3A_1009 = arith.constant 0 : i32
        %dma_wait3A_1010 = arith.constant 0 : i32
        %dma_wait3A_1011 = tpu.memref_slice %arg6[%dma_wait3A_996, %dma_wait3A_1009, %dma_wait3A_1010] : memref<8x100x128xf32, #tpu.memory_space<vmem>> -> memref<1x50x128xf32, #tpu.memory_space<vmem>>
        %dma_wait3A_1012 = tpu.memref_squeeze %dma_wait3A_1011 : memref<1x50x128xf32, #tpu.memory_space<vmem>> -> memref<50x128xf32, #tpu.memory_space<vmem>>
        tpu.wait_dma2 semaphore(%arg8 : memref<!tpu.dma_semaphore, #tpu.memory_space<semaphore_mem>>) src(%dma_wait3A_1012 : memref<50x128xf32, #tpu.memory_space<vmem>>) dst(%dma_wait3A_1008 : memref<50x128xf32, #tpu.memory_space<hbm>>)
        %add3A_1013 = arith.constant 1 : i32
        %add3A_1014 = arith.addi %add3A_993, %add3A_1013 : i32
        %dma_wait3A_1015 = arith.constant 4 : i32
        %dma_wait3A_1016 = arith.constant 50 : i32
        %dma_wait3A_1017 = arith.constant 0 : i32
        %dma_wait3A_1018 = tpu.memref_slice %arg6[%dma_wait3A_1015, %dma_wait3A_1016, %dma_wait3A_1017] : memref<8x100x128xf32, #tpu.memory_space<vmem>> -> memref<1x50x128xf32, #tpu.memory_space<vmem>>
        %dma_wait3A_1019 = tpu.memref_squeeze %dma_wait3A_1018 : memref<1x50x128xf32, #tpu.memory_space<vmem>> -> memref<50x128xf32, #tpu.memory_space<vmem>>
        %dma_wait3A_1020 = arith.constant 0 : i32
        %dma_wait3A_1021 = arith.constant 0 : i32
        %dma_wait3A_1022 = tpu.memref_slice %arg4[%dma_wait3A_1020, %add3A_1014, %dma_wait3A_1021] : memref<50x4096x128xf32, #tpu.memory_space<hbm>> -> memref<50x1x128xf32, #tpu.memory_space<hbm>>
        %dma_wait3A_1023 = tpu.memref_squeeze %dma_wait3A_1022 : memref<50x1x128xf32, #tpu.memory_space<hbm>> -> memref<50x128xf32, #tpu.memory_space<hbm>>
        %dma_wait3A_1024 = arith.constant 0 : i32
        %dma_wait3A_1025 = arith.constant 0 : i32
        %dma_wait3A_1026 = tpu.memref_slice %arg4[%dma_wait3A_1024, %add3A_1014, %dma_wait3A_1025] : memref<50x4096x128xf32, #tpu.memory_space<hbm>> -> memref<50x1x128xf32, #tpu.memory_space<hbm>>
        %dma_wait3A_1027 = tpu.memref_squeeze %dma_wait3A_1026 : memref<50x1x128xf32, #tpu.memory_space<hbm>> -> memref<50x128xf32, #tpu.memory_space<hbm>>
        %dma_wait3A_1028 = arith.constant 50 : i32
        %dma_wait3A_1029 = arith.constant 0 : i32
        %dma_wait3A_1030 = tpu.memref_slice %arg6[%dma_wait3A_1015, %dma_wait3A_1028, %dma_wait3A_1029] : memref<8x100x128xf32, #tpu.memory_space<vmem>> -> memref<1x50x128xf32, #tpu.memory_space<vmem>>
        %dma_wait3A_1031 = tpu.memref_squeeze %dma_wait3A_1030 : memref<1x50x128xf32, #tpu.memory_space<vmem>> -> memref<50x128xf32, #tpu.memory_space<vmem>>
        tpu.wait_dma2 semaphore(%arg8 : memref<!tpu.dma_semaphore, #tpu.memory_space<semaphore_mem>>) src(%dma_wait3A_1031 : memref<50x128xf32, #tpu.memory_space<vmem>>) dst(%dma_wait3A_1027 : memref<50x128xf32, #tpu.memory_space<hbm>>)
      } else {
      }
      %lt3A_838 = arith.constant 64 : i32
      %lt3A_839 = arith.cmpi slt, %sub3A_829, %lt3A_838 : i32
      %convert_element_type3A_840 = arith.extui %lt3A_839 : i1 to i32
      %cond3A_841 = arith.constant 0 : i32
      %cond3A_842 = arith.cmpi ne, %convert_element_type3A_840, %cond3A_841 : i32
      scf.if %cond3A_842 {
        %dma_start3A_989 = arith.constant 4 : i32
        %dma_start3A_990 = arith.constant 0 : i32
        %dma_start3A_991 = arith.constant 0 : i32
        %dma_start3A_992 = tpu.memref_slice %arg6[%dma_start3A_989, %dma_start3A_990, %dma_start3A_991] : memref<8x100x128xf32, #tpu.memory_space<vmem>> -> memref<1x100x128xf32, #tpu.memory_space<vmem>>
        %dma_start3A_993 = tpu.memref_squeeze %dma_start3A_992 : memref<1x100x128xf32, #tpu.memory_space<vmem>> -> memref<100x128xf32, #tpu.memory_space<vmem>>
        %dma_start3A_994 = arith.constant 0 : i32
        %dma_start3A_995 = tpu.memref_slice %arg5[%sub3A_829, %dma_start3A_994] : memref<64x100xi32, #tpu.memory_space<vmem>> -> memref<1x100xi32, #tpu.memory_space<vmem>>
        %dma_start3A_996 = tpu.memref_squeeze %dma_start3A_995 : memref<1x100xi32, #tpu.memory_space<vmem>> -> memref<100xi32, #tpu.memory_space<vmem>>
        %dma_start3A_997 = arith.constant 0 : i32
        %dma_start3A_998 = arith.constant 0 : i32
        %dma_start3A_999 = tpu.memref_slice %arg2[%dma_start3A_997, %dma_start3A_998] : memref<100000x128xf32, #tpu.memory_space<hbm>> -> memref<100000x128xf32, #tpu.memory_space<hbm>>
        tpu.enqueue_indirect_dma source(%dma_start3A_999 : memref<100000x128xf32, #tpu.memory_space<hbm>>) target(%dma_start3A_993 : memref<100x128xf32, #tpu.memory_space<vmem>>) offsets(%dma_start3A_996 : memref<100xi32, #tpu.memory_space<vmem>>) semaphore(%arg7 : memref<!tpu.dma_semaphore, #tpu.memory_space<semaphore_mem>>)
      } else {
      }
      %mul3A_843 = arith.constant 8 : i32
      %mul3A_844 = arith.muli %scan3A_410, %mul3A_843 : i32
      %add3A_845 = arith.constant 6 : i32
      %add3A_846 = arith.addi %mul3A_844, %add3A_845 : i32
      %dma_wait3A_847 = arith.constant 6 : i32
      %dma_wait3A_848 = arith.constant 0 : i32
      %dma_wait3A_849 = arith.constant 0 : i32
      %dma_wait3A_850 = tpu.memref_slice %arg6[%dma_wait3A_847, %dma_wait3A_848, %dma_wait3A_849] : memref<8x100x128xf32, #tpu.memory_space<vmem>> -> memref<1x100x128xf32, #tpu.memory_space<vmem>>
      %dma_wait3A_851 = tpu.memref_squeeze %dma_wait3A_850 : memref<1x100x128xf32, #tpu.memory_space<vmem>> -> memref<100x128xf32, #tpu.memory_space<vmem>>
      %dma_wait3A_852 = arith.constant 0 : i32
      %dma_wait3A_853 = tpu.memref_slice %arg5[%add3A_846, %dma_wait3A_852] : memref<64x100xi32, #tpu.memory_space<vmem>> -> memref<1x100xi32, #tpu.memory_space<vmem>>
      %dma_wait3A_854 = tpu.memref_squeeze %dma_wait3A_853 : memref<1x100xi32, #tpu.memory_space<vmem>> -> memref<100xi32, #tpu.memory_space<vmem>>
      %dma_wait3A_855 = arith.constant 0 : i32
      %dma_wait3A_856 = arith.constant 0 : i32
      %dma_wait3A_857 = tpu.memref_slice %arg2[%dma_wait3A_855, %dma_wait3A_856] : memref<100000x128xf32, #tpu.memory_space<hbm>> -> memref<100000x128xf32, #tpu.memory_space<hbm>>
      tpu.wait_indirect_dma semaphore(%arg7 : memref<!tpu.dma_semaphore, #tpu.memory_space<semaphore_mem>>) src(%dma_wait3A_857 : memref<100000x128xf32, #tpu.memory_space<hbm>>) dst(%dma_wait3A_851 : memref<100x128xf32, #tpu.memory_space<vmem>>)
      %mul3A_858 = arith.constant 2 : i32
      %mul3A_859 = arith.muli %add3A_846, %mul3A_858 : i32
      %add3A_860 = arith.addi %mul3A_2, %mul3A_859 : i32
      %add3A_861 = arith.constant 0 : i32
      %add3A_862 = arith.addi %add3A_860, %add3A_861 : i32
      %dma_start3A_863 = arith.constant 6 : i32
      %dma_start3A_864 = arith.constant 0 : i32
      %dma_start3A_865 = arith.constant 0 : i32
      %dma_start3A_866 = tpu.memref_slice %arg6[%dma_start3A_863, %dma_start3A_864, %dma_start3A_865] : memref<8x100x128xf32, #tpu.memory_space<vmem>> -> memref<1x50x128xf32, #tpu.memory_space<vmem>>
      %dma_start3A_867 = tpu.memref_squeeze %dma_start3A_866 : memref<1x50x128xf32, #tpu.memory_space<vmem>> -> memref<50x128xf32, #tpu.memory_space<vmem>>
      %dma_start3A_868 = arith.constant 0 : i32
      %dma_start3A_869 = arith.constant 0 : i32
      %dma_start3A_870 = tpu.memref_slice %arg4[%dma_start3A_868, %add3A_862, %dma_start3A_869] : memref<50x4096x128xf32, #tpu.memory_space<hbm>> -> memref<50x1x128xf32, #tpu.memory_space<hbm>>
      %dma_start3A_871 = tpu.memref_squeeze %dma_start3A_870 : memref<50x1x128xf32, #tpu.memory_space<hbm>> -> memref<50x128xf32, #tpu.memory_space<hbm>>
      %dma_start3A_872 = arith.constant 0 : i32
      %dma_start3A_873 = arith.constant 0 : i32
      %dma_start3A_874 = tpu.memref_slice %arg4[%dma_start3A_872, %add3A_862, %dma_start3A_873] : memref<50x4096x128xf32, #tpu.memory_space<hbm>> -> memref<50x1x128xf32, #tpu.memory_space<hbm>>
      %dma_start3A_875 = tpu.memref_squeeze %dma_start3A_874 : memref<50x1x128xf32, #tpu.memory_space<hbm>> -> memref<50x128xf32, #tpu.memory_space<hbm>>
      %dma_start3A_876 = arith.constant 0 : i32
      %dma_start3A_877 = arith.constant 0 : i32
      %dma_start3A_878 = tpu.memref_slice %arg6[%dma_start3A_863, %dma_start3A_876, %dma_start3A_877] : memref<8x100x128xf32, #tpu.memory_space<vmem>> -> memref<1x50x128xf32, #tpu.memory_space<vmem>>
      %dma_start3A_879 = tpu.memref_squeeze %dma_start3A_878 : memref<1x50x128xf32, #tpu.memory_space<vmem>> -> memref<50x128xf32, #tpu.memory_space<vmem>>
      tpu.enqueue_dma source(%dma_start3A_879 : memref<50x128xf32, #tpu.memory_space<vmem>>) target(%dma_start3A_875 : memref<50x128xf32, #tpu.memory_space<hbm>>) target_semaphore(%arg8 : memref<!tpu.dma_semaphore, #tpu.memory_space<semaphore_mem>>)
      %add3A_880 = arith.constant 1 : i32
      %add3A_881 = arith.addi %add3A_860, %add3A_880 : i32
      %dma_start3A_882 = arith.constant 6 : i32
      %dma_start3A_883 = arith.constant 50 : i32
      %dma_start3A_884 = arith.constant 0 : i32
      %dma_start3A_885 = tpu.memref_slice %arg6[%dma_start3A_882, %dma_start3A_883, %dma_start3A_884] : memref<8x100x128xf32, #tpu.memory_space<vmem>> -> memref<1x50x128xf32, #tpu.memory_space<vmem>>
      %dma_start3A_886 = tpu.memref_squeeze %dma_start3A_885 : memref<1x50x128xf32, #tpu.memory_space<vmem>> -> memref<50x128xf32, #tpu.memory_space<vmem>>
      %dma_start3A_887 = arith.constant 0 : i32
      %dma_start3A_888 = arith.constant 0 : i32
      %dma_start3A_889 = tpu.memref_slice %arg4[%dma_start3A_887, %add3A_881, %dma_start3A_888] : memref<50x4096x128xf32, #tpu.memory_space<hbm>> -> memref<50x1x128xf32, #tpu.memory_space<hbm>>
      %dma_start3A_890 = tpu.memref_squeeze %dma_start3A_889 : memref<50x1x128xf32, #tpu.memory_space<hbm>> -> memref<50x128xf32, #tpu.memory_space<hbm>>
      %dma_start3A_891 = arith.constant 0 : i32
      %dma_start3A_892 = arith.constant 0 : i32
      %dma_start3A_893 = tpu.memref_slice %arg4[%dma_start3A_891, %add3A_881, %dma_start3A_892] : memref<50x4096x128xf32, #tpu.memory_space<hbm>> -> memref<50x1x128xf32, #tpu.memory_space<hbm>>
      %dma_start3A_894 = tpu.memref_squeeze %dma_start3A_893 : memref<50x1x128xf32, #tpu.memory_space<hbm>> -> memref<50x128xf32, #tpu.memory_space<hbm>>
      %dma_start3A_895 = arith.constant 50 : i32
      %dma_start3A_896 = arith.constant 0 : i32
      %dma_start3A_897 = tpu.memref_slice %arg6[%dma_start3A_882, %dma_start3A_895, %dma_start3A_896] : memref<8x100x128xf32, #tpu.memory_space<vmem>> -> memref<1x50x128xf32, #tpu.memory_space<vmem>>
      %dma_start3A_898 = tpu.memref_squeeze %dma_start3A_897 : memref<1x50x128xf32, #tpu.memory_space<vmem>> -> memref<50x128xf32, #tpu.memory_space<vmem>>
      tpu.enqueue_dma source(%dma_start3A_898 : memref<50x128xf32, #tpu.memory_space<vmem>>) target(%dma_start3A_894 : memref<50x128xf32, #tpu.memory_space<hbm>>) target_semaphore(%arg8 : memref<!tpu.dma_semaphore, #tpu.memory_space<semaphore_mem>>)
      %add3A_899 = arith.constant 8 : i32
      %add3A_900 = arith.addi %add3A_846, %add3A_899 : i32
      %sub3A_901 = arith.constant 1 : i32
      %sub3A_902 = arith.subi %add3A_900, %sub3A_901 : i32
      %lt3A_903 = arith.constant 64 : i32
      %lt3A_904 = arith.cmpi slt, %sub3A_902, %lt3A_903 : i32
      %ge3A_905 = arith.constant 1 : i32
      %ge3A_906 = arith.cmpi sge, %add3A_846, %ge3A_905 : i32
      %and3A_907 = arith.andi %lt3A_904, %ge3A_906 : i1
      %convert_element_type3A_908 = arith.extui %and3A_907 : i1 to i32
      %cond3A_909 = arith.constant 0 : i32
      %cond3A_910 = arith.cmpi ne, %convert_element_type3A_908, %cond3A_909 : i32
      scf.if %cond3A_910 {
        %sub3A_989 = arith.constant 1 : i32
        %sub3A_990 = arith.subi %add3A_846, %sub3A_989 : i32
        %mul3A_991 = arith.constant 2 : i32
        %mul3A_992 = arith.muli %sub3A_990, %mul3A_991 : i32
        %add3A_993 = arith.addi %mul3A_2, %mul3A_992 : i32
        %add3A_994 = arith.constant 0 : i32
        %add3A_995 = arith.addi %add3A_993, %add3A_994 : i32
        %dma_wait3A_996 = arith.constant 5 : i32
        %dma_wait3A_997 = arith.constant 0 : i32
        %dma_wait3A_998 = arith.constant 0 : i32
        %dma_wait3A_999 = tpu.memref_slice %arg6[%dma_wait3A_996, %dma_wait3A_997, %dma_wait3A_998] : memref<8x100x128xf32, #tpu.memory_space<vmem>> -> memref<1x50x128xf32, #tpu.memory_space<vmem>>
        %dma_wait3A_1000 = tpu.memref_squeeze %dma_wait3A_999 : memref<1x50x128xf32, #tpu.memory_space<vmem>> -> memref<50x128xf32, #tpu.memory_space<vmem>>
        %dma_wait3A_1001 = arith.constant 0 : i32
        %dma_wait3A_1002 = arith.constant 0 : i32
        %dma_wait3A_1003 = tpu.memref_slice %arg4[%dma_wait3A_1001, %add3A_995, %dma_wait3A_1002] : memref<50x4096x128xf32, #tpu.memory_space<hbm>> -> memref<50x1x128xf32, #tpu.memory_space<hbm>>
        %dma_wait3A_1004 = tpu.memref_squeeze %dma_wait3A_1003 : memref<50x1x128xf32, #tpu.memory_space<hbm>> -> memref<50x128xf32, #tpu.memory_space<hbm>>
        %dma_wait3A_1005 = arith.constant 0 : i32
        %dma_wait3A_1006 = arith.constant 0 : i32
        %dma_wait3A_1007 = tpu.memref_slice %arg4[%dma_wait3A_1005, %add3A_995, %dma_wait3A_1006] : memref<50x4096x128xf32, #tpu.memory_space<hbm>> -> memref<50x1x128xf32, #tpu.memory_space<hbm>>
        %dma_wait3A_1008 = tpu.memref_squeeze %dma_wait3A_1007 : memref<50x1x128xf32, #tpu.memory_space<hbm>> -> memref<50x128xf32, #tpu.memory_space<hbm>>
        %dma_wait3A_1009 = arith.constant 0 : i32
        %dma_wait3A_1010 = arith.constant 0 : i32
        %dma_wait3A_1011 = tpu.memref_slice %arg6[%dma_wait3A_996, %dma_wait3A_1009, %dma_wait3A_1010] : memref<8x100x128xf32, #tpu.memory_space<vmem>> -> memref<1x50x128xf32, #tpu.memory_space<vmem>>
        %dma_wait3A_1012 = tpu.memref_squeeze %dma_wait3A_1011 : memref<1x50x128xf32, #tpu.memory_space<vmem>> -> memref<50x128xf32, #tpu.memory_space<vmem>>
        tpu.wait_dma2 semaphore(%arg8 : memref<!tpu.dma_semaphore, #tpu.memory_space<semaphore_mem>>) src(%dma_wait3A_1012 : memref<50x128xf32, #tpu.memory_space<vmem>>) dst(%dma_wait3A_1008 : memref<50x128xf32, #tpu.memory_space<hbm>>)
        %add3A_1013 = arith.constant 1 : i32
        %add3A_1014 = arith.addi %add3A_993, %add3A_1013 : i32
        %dma_wait3A_1015 = arith.constant 5 : i32
        %dma_wait3A_1016 = arith.constant 50 : i32
        %dma_wait3A_1017 = arith.constant 0 : i32
        %dma_wait3A_1018 = tpu.memref_slice %arg6[%dma_wait3A_1015, %dma_wait3A_1016, %dma_wait3A_1017] : memref<8x100x128xf32, #tpu.memory_space<vmem>> -> memref<1x50x128xf32, #tpu.memory_space<vmem>>
        %dma_wait3A_1019 = tpu.memref_squeeze %dma_wait3A_1018 : memref<1x50x128xf32, #tpu.memory_space<vmem>> -> memref<50x128xf32, #tpu.memory_space<vmem>>
        %dma_wait3A_1020 = arith.constant 0 : i32
        %dma_wait3A_1021 = arith.constant 0 : i32
        %dma_wait3A_1022 = tpu.memref_slice %arg4[%dma_wait3A_1020, %add3A_1014, %dma_wait3A_1021] : memref<50x4096x128xf32, #tpu.memory_space<hbm>> -> memref<50x1x128xf32, #tpu.memory_space<hbm>>
        %dma_wait3A_1023 = tpu.memref_squeeze %dma_wait3A_1022 : memref<50x1x128xf32, #tpu.memory_space<hbm>> -> memref<50x128xf32, #tpu.memory_space<hbm>>
        %dma_wait3A_1024 = arith.constant 0 : i32
        %dma_wait3A_1025 = arith.constant 0 : i32
        %dma_wait3A_1026 = tpu.memref_slice %arg4[%dma_wait3A_1024, %add3A_1014, %dma_wait3A_1025] : memref<50x4096x128xf32, #tpu.memory_space<hbm>> -> memref<50x1x128xf32, #tpu.memory_space<hbm>>
        %dma_wait3A_1027 = tpu.memref_squeeze %dma_wait3A_1026 : memref<50x1x128xf32, #tpu.memory_space<hbm>> -> memref<50x128xf32, #tpu.memory_space<hbm>>
        %dma_wait3A_1028 = arith.constant 50 : i32
        %dma_wait3A_1029 = arith.constant 0 : i32
        %dma_wait3A_1030 = tpu.memref_slice %arg6[%dma_wait3A_1015, %dma_wait3A_1028, %dma_wait3A_1029] : memref<8x100x128xf32, #tpu.memory_space<vmem>> -> memref<1x50x128xf32, #tpu.memory_space<vmem>>
        %dma_wait3A_1031 = tpu.memref_squeeze %dma_wait3A_1030 : memref<1x50x128xf32, #tpu.memory_space<vmem>> -> memref<50x128xf32, #tpu.memory_space<vmem>>
        tpu.wait_dma2 semaphore(%arg8 : memref<!tpu.dma_semaphore, #tpu.memory_space<semaphore_mem>>) src(%dma_wait3A_1031 : memref<50x128xf32, #tpu.memory_space<vmem>>) dst(%dma_wait3A_1027 : memref<50x128xf32, #tpu.memory_space<hbm>>)
      } else {
      }
      %lt3A_911 = arith.constant 64 : i32
      %lt3A_912 = arith.cmpi slt, %sub3A_902, %lt3A_911 : i32
      %convert_element_type3A_913 = arith.extui %lt3A_912 : i1 to i32
      %cond3A_914 = arith.constant 0 : i32
      %cond3A_915 = arith.cmpi ne, %convert_element_type3A_913, %cond3A_914 : i32
      scf.if %cond3A_915 {
        %dma_start3A_989 = arith.constant 5 : i32
        %dma_start3A_990 = arith.constant 0 : i32
        %dma_start3A_991 = arith.constant 0 : i32
        %dma_start3A_992 = tpu.memref_slice %arg6[%dma_start3A_989, %dma_start3A_990, %dma_start3A_991] : memref<8x100x128xf32, #tpu.memory_space<vmem>> -> memref<1x100x128xf32, #tpu.memory_space<vmem>>
        %dma_start3A_993 = tpu.memref_squeeze %dma_start3A_992 : memref<1x100x128xf32, #tpu.memory_space<vmem>> -> memref<100x128xf32, #tpu.memory_space<vmem>>
        %dma_start3A_994 = arith.constant 0 : i32
        %dma_start3A_995 = tpu.memref_slice %arg5[%sub3A_902, %dma_start3A_994] : memref<64x100xi32, #tpu.memory_space<vmem>> -> memref<1x100xi32, #tpu.memory_space<vmem>>
        %dma_start3A_996 = tpu.memref_squeeze %dma_start3A_995 : memref<1x100xi32, #tpu.memory_space<vmem>> -> memref<100xi32, #tpu.memory_space<vmem>>
        %dma_start3A_997 = arith.constant 0 : i32
        %dma_start3A_998 = arith.constant 0 : i32
        %dma_start3A_999 = tpu.memref_slice %arg2[%dma_start3A_997, %dma_start3A_998] : memref<100000x128xf32, #tpu.memory_space<hbm>> -> memref<100000x128xf32, #tpu.memory_space<hbm>>
        tpu.enqueue_indirect_dma source(%dma_start3A_999 : memref<100000x128xf32, #tpu.memory_space<hbm>>) target(%dma_start3A_993 : memref<100x128xf32, #tpu.memory_space<vmem>>) offsets(%dma_start3A_996 : memref<100xi32, #tpu.memory_space<vmem>>) semaphore(%arg7 : memref<!tpu.dma_semaphore, #tpu.memory_space<semaphore_mem>>)
      } else {
      }
      %mul3A_916 = arith.constant 8 : i32
      %mul3A_917 = arith.muli %scan3A_410, %mul3A_916 : i32
      %add3A_918 = arith.constant 7 : i32
      %add3A_919 = arith.addi %mul3A_917, %add3A_918 : i32
      %dma_wait3A_920 = arith.constant 7 : i32
      %dma_wait3A_921 = arith.constant 0 : i32
      %dma_wait3A_922 = arith.constant 0 : i32
      %dma_wait3A_923 = tpu.memref_slice %arg6[%dma_wait3A_920, %dma_wait3A_921, %dma_wait3A_922] : memref<8x100x128xf32, #tpu.memory_space<vmem>> -> memref<1x100x128xf32, #tpu.memory_space<vmem>>
      %dma_wait3A_924 = tpu.memref_squeeze %dma_wait3A_923 : memref<1x100x128xf32, #tpu.memory_space<vmem>> -> memref<100x128xf32, #tpu.memory_space<vmem>>
      %dma_wait3A_925 = arith.constant 0 : i32
      %dma_wait3A_926 = tpu.memref_slice %arg5[%add3A_919, %dma_wait3A_925] : memref<64x100xi32, #tpu.memory_space<vmem>> -> memref<1x100xi32, #tpu.memory_space<vmem>>
      %dma_wait3A_927 = tpu.memref_squeeze %dma_wait3A_926 : memref<1x100xi32, #tpu.memory_space<vmem>> -> memref<100xi32, #tpu.memory_space<vmem>>
      %dma_wait3A_928 = arith.constant 0 : i32
      %dma_wait3A_929 = arith.constant 0 : i32
      %dma_wait3A_930 = tpu.memref_slice %arg2[%dma_wait3A_928, %dma_wait3A_929] : memref<100000x128xf32, #tpu.memory_space<hbm>> -> memref<100000x128xf32, #tpu.memory_space<hbm>>
      tpu.wait_indirect_dma semaphore(%arg7 : memref<!tpu.dma_semaphore, #tpu.memory_space<semaphore_mem>>) src(%dma_wait3A_930 : memref<100000x128xf32, #tpu.memory_space<hbm>>) dst(%dma_wait3A_924 : memref<100x128xf32, #tpu.memory_space<vmem>>)
      %mul3A_931 = arith.constant 2 : i32
      %mul3A_932 = arith.muli %add3A_919, %mul3A_931 : i32
      %add3A_933 = arith.addi %mul3A_2, %mul3A_932 : i32
      %add3A_934 = arith.constant 0 : i32
      %add3A_935 = arith.addi %add3A_933, %add3A_934 : i32
      %dma_start3A_936 = arith.constant 7 : i32
      %dma_start3A_937 = arith.constant 0 : i32
      %dma_start3A_938 = arith.constant 0 : i32
      %dma_start3A_939 = tpu.memref_slice %arg6[%dma_start3A_936, %dma_start3A_937, %dma_start3A_938] : memref<8x100x128xf32, #tpu.memory_space<vmem>> -> memref<1x50x128xf32, #tpu.memory_space<vmem>>
      %dma_start3A_940 = tpu.memref_squeeze %dma_start3A_939 : memref<1x50x128xf32, #tpu.memory_space<vmem>> -> memref<50x128xf32, #tpu.memory_space<vmem>>
      %dma_start3A_941 = arith.constant 0 : i32
      %dma_start3A_942 = arith.constant 0 : i32
      %dma_start3A_943 = tpu.memref_slice %arg4[%dma_start3A_941, %add3A_935, %dma_start3A_942] : memref<50x4096x128xf32, #tpu.memory_space<hbm>> -> memref<50x1x128xf32, #tpu.memory_space<hbm>>
      %dma_start3A_944 = tpu.memref_squeeze %dma_start3A_943 : memref<50x1x128xf32, #tpu.memory_space<hbm>> -> memref<50x128xf32, #tpu.memory_space<hbm>>
      %dma_start3A_945 = arith.constant 0 : i32
      %dma_start3A_946 = arith.constant 0 : i32
      %dma_start3A_947 = tpu.memref_slice %arg4[%dma_start3A_945, %add3A_935, %dma_start3A_946] : memref<50x4096x128xf32, #tpu.memory_space<hbm>> -> memref<50x1x128xf32, #tpu.memory_space<hbm>>
      %dma_start3A_948 = tpu.memref_squeeze %dma_start3A_947 : memref<50x1x128xf32, #tpu.memory_space<hbm>> -> memref<50x128xf32, #tpu.memory_space<hbm>>
      %dma_start3A_949 = arith.constant 0 : i32
      %dma_start3A_950 = arith.constant 0 : i32
      %dma_start3A_951 = tpu.memref_slice %arg6[%dma_start3A_936, %dma_start3A_949, %dma_start3A_950] : memref<8x100x128xf32, #tpu.memory_space<vmem>> -> memref<1x50x128xf32, #tpu.memory_space<vmem>>
      %dma_start3A_952 = tpu.memref_squeeze %dma_start3A_951 : memref<1x50x128xf32, #tpu.memory_space<vmem>> -> memref<50x128xf32, #tpu.memory_space<vmem>>
      tpu.enqueue_dma source(%dma_start3A_952 : memref<50x128xf32, #tpu.memory_space<vmem>>) target(%dma_start3A_948 : memref<50x128xf32, #tpu.memory_space<hbm>>) target_semaphore(%arg8 : memref<!tpu.dma_semaphore, #tpu.memory_space<semaphore_mem>>)
      %add3A_953 = arith.constant 1 : i32
      %add3A_954 = arith.addi %add3A_933, %add3A_953 : i32
      %dma_start3A_955 = arith.constant 7 : i32
      %dma_start3A_956 = arith.constant 50 : i32
      %dma_start3A_957 = arith.constant 0 : i32
      %dma_start3A_958 = tpu.memref_slice %arg6[%dma_start3A_955, %dma_start3A_956, %dma_start3A_957] : memref<8x100x128xf32, #tpu.memory_space<vmem>> -> memref<1x50x128xf32, #tpu.memory_space<vmem>>
      %dma_start3A_959 = tpu.memref_squeeze %dma_start3A_958 : memref<1x50x128xf32, #tpu.memory_space<vmem>> -> memref<50x128xf32, #tpu.memory_space<vmem>>
      %dma_start3A_960 = arith.constant 0 : i32
      %dma_start3A_961 = arith.constant 0 : i32
      %dma_start3A_962 = tpu.memref_slice %arg4[%dma_start3A_960, %add3A_954, %dma_start3A_961] : memref<50x4096x128xf32, #tpu.memory_space<hbm>> -> memref<50x1x128xf32, #tpu.memory_space<hbm>>
      %dma_start3A_963 = tpu.memref_squeeze %dma_start3A_962 : memref<50x1x128xf32, #tpu.memory_space<hbm>> -> memref<50x128xf32, #tpu.memory_space<hbm>>
      %dma_start3A_964 = arith.constant 0 : i32
      %dma_start3A_965 = arith.constant 0 : i32
      %dma_start3A_966 = tpu.memref_slice %arg4[%dma_start3A_964, %add3A_954, %dma_start3A_965] : memref<50x4096x128xf32, #tpu.memory_space<hbm>> -> memref<50x1x128xf32, #tpu.memory_space<hbm>>
      %dma_start3A_967 = tpu.memref_squeeze %dma_start3A_966 : memref<50x1x128xf32, #tpu.memory_space<hbm>> -> memref<50x128xf32, #tpu.memory_space<hbm>>
      %dma_start3A_968 = arith.constant 50 : i32
      %dma_start3A_969 = arith.constant 0 : i32
      %dma_start3A_970 = tpu.memref_slice %arg6[%dma_start3A_955, %dma_start3A_968, %dma_start3A_969] : memref<8x100x128xf32, #tpu.memory_space<vmem>> -> memref<1x50x128xf32, #tpu.memory_space<vmem>>
      %dma_start3A_971 = tpu.memref_squeeze %dma_start3A_970 : memref<1x50x128xf32, #tpu.memory_space<vmem>> -> memref<50x128xf32, #tpu.memory_space<vmem>>
      tpu.enqueue_dma source(%dma_start3A_971 : memref<50x128xf32, #tpu.memory_space<vmem>>) target(%dma_start3A_967 : memref<50x128xf32, #tpu.memory_space<hbm>>) target_semaphore(%arg8 : memref<!tpu.dma_semaphore, #tpu.memory_space<semaphore_mem>>)
      %add3A_972 = arith.constant 8 : i32
      %add3A_973 = arith.addi %add3A_919, %add3A_972 : i32
      %sub3A_974 = arith.constant 1 : i32
      %sub3A_975 = arith.subi %add3A_973, %sub3A_974 : i32
      %lt3A_976 = arith.constant 64 : i32
      %lt3A_977 = arith.cmpi slt, %sub3A_975, %lt3A_976 : i32
      %ge3A_978 = arith.constant 1 : i32
      %ge3A_979 = arith.cmpi sge, %add3A_919, %ge3A_978 : i32
      %and3A_980 = arith.andi %lt3A_977, %ge3A_979 : i1
      %convert_element_type3A_981 = arith.extui %and3A_980 : i1 to i32
      %cond3A_982 = arith.constant 0 : i32
      %cond3A_983 = arith.cmpi ne, %convert_element_type3A_981, %cond3A_982 : i32
      scf.if %cond3A_983 {
        %sub3A_989 = arith.constant 1 : i32
        %sub3A_990 = arith.subi %add3A_919, %sub3A_989 : i32
        %mul3A_991 = arith.constant 2 : i32
        %mul3A_992 = arith.muli %sub3A_990, %mul3A_991 : i32
        %add3A_993 = arith.addi %mul3A_2, %mul3A_992 : i32
        %add3A_994 = arith.constant 0 : i32
        %add3A_995 = arith.addi %add3A_993, %add3A_994 : i32
        %dma_wait3A_996 = arith.constant 6 : i32
        %dma_wait3A_997 = arith.constant 0 : i32
        %dma_wait3A_998 = arith.constant 0 : i32
        %dma_wait3A_999 = tpu.memref_slice %arg6[%dma_wait3A_996, %dma_wait3A_997, %dma_wait3A_998] : memref<8x100x128xf32, #tpu.memory_space<vmem>> -> memref<1x50x128xf32, #tpu.memory_space<vmem>>
        %dma_wait3A_1000 = tpu.memref_squeeze %dma_wait3A_999 : memref<1x50x128xf32, #tpu.memory_space<vmem>> -> memref<50x128xf32, #tpu.memory_space<vmem>>
        %dma_wait3A_1001 = arith.constant 0 : i32
        %dma_wait3A_1002 = arith.constant 0 : i32
        %dma_wait3A_1003 = tpu.memref_slice %arg4[%dma_wait3A_1001, %add3A_995, %dma_wait3A_1002] : memref<50x4096x128xf32, #tpu.memory_space<hbm>> -> memref<50x1x128xf32, #tpu.memory_space<hbm>>
        %dma_wait3A_1004 = tpu.memref_squeeze %dma_wait3A_1003 : memref<50x1x128xf32, #tpu.memory_space<hbm>> -> memref<50x128xf32, #tpu.memory_space<hbm>>
        %dma_wait3A_1005 = arith.constant 0 : i32
        %dma_wait3A_1006 = arith.constant 0 : i32
        %dma_wait3A_1007 = tpu.memref_slice %arg4[%dma_wait3A_1005, %add3A_995, %dma_wait3A_1006] : memref<50x4096x128xf32, #tpu.memory_space<hbm>> -> memref<50x1x128xf32, #tpu.memory_space<hbm>>
        %dma_wait3A_1008 = tpu.memref_squeeze %dma_wait3A_1007 : memref<50x1x128xf32, #tpu.memory_space<hbm>> -> memref<50x128xf32, #tpu.memory_space<hbm>>
        %dma_wait3A_1009 = arith.constant 0 : i32
        %dma_wait3A_1010 = arith.constant 0 : i32
        %dma_wait3A_1011 = tpu.memref_slice %arg6[%dma_wait3A_996, %dma_wait3A_1009, %dma_wait3A_1010] : memref<8x100x128xf32, #tpu.memory_space<vmem>> -> memref<1x50x128xf32, #tpu.memory_space<vmem>>
        %dma_wait3A_1012 = tpu.memref_squeeze %dma_wait3A_1011 : memref<1x50x128xf32, #tpu.memory_space<vmem>> -> memref<50x128xf32, #tpu.memory_space<vmem>>
        tpu.wait_dma2 semaphore(%arg8 : memref<!tpu.dma_semaphore, #tpu.memory_space<semaphore_mem>>) src(%dma_wait3A_1012 : memref<50x128xf32, #tpu.memory_space<vmem>>) dst(%dma_wait3A_1008 : memref<50x128xf32, #tpu.memory_space<hbm>>)
        %add3A_1013 = arith.constant 1 : i32
        %add3A_1014 = arith.addi %add3A_993, %add3A_1013 : i32
        %dma_wait3A_1015 = arith.constant 6 : i32
        %dma_wait3A_1016 = arith.constant 50 : i32
        %dma_wait3A_1017 = arith.constant 0 : i32
        %dma_wait3A_1018 = tpu.memref_slice %arg6[%dma_wait3A_1015, %dma_wait3A_1016, %dma_wait3A_1017] : memref<8x100x128xf32, #tpu.memory_space<vmem>> -> memref<1x50x128xf32, #tpu.memory_space<vmem>>
        %dma_wait3A_1019 = tpu.memref_squeeze %dma_wait3A_1018 : memref<1x50x128xf32, #tpu.memory_space<vmem>> -> memref<50x128xf32, #tpu.memory_space<vmem>>
        %dma_wait3A_1020 = arith.constant 0 : i32
        %dma_wait3A_1021 = arith.constant 0 : i32
        %dma_wait3A_1022 = tpu.memref_slice %arg4[%dma_wait3A_1020, %add3A_1014, %dma_wait3A_1021] : memref<50x4096x128xf32, #tpu.memory_space<hbm>> -> memref<50x1x128xf32, #tpu.memory_space<hbm>>
        %dma_wait3A_1023 = tpu.memref_squeeze %dma_wait3A_1022 : memref<50x1x128xf32, #tpu.memory_space<hbm>> -> memref<50x128xf32, #tpu.memory_space<hbm>>
        %dma_wait3A_1024 = arith.constant 0 : i32
        %dma_wait3A_1025 = arith.constant 0 : i32
        %dma_wait3A_1026 = tpu.memref_slice %arg4[%dma_wait3A_1024, %add3A_1014, %dma_wait3A_1025] : memref<50x4096x128xf32, #tpu.memory_space<hbm>> -> memref<50x1x128xf32, #tpu.memory_space<hbm>>
        %dma_wait3A_1027 = tpu.memref_squeeze %dma_wait3A_1026 : memref<50x1x128xf32, #tpu.memory_space<hbm>> -> memref<50x128xf32, #tpu.memory_space<hbm>>
        %dma_wait3A_1028 = arith.constant 50 : i32
        %dma_wait3A_1029 = arith.constant 0 : i32
        %dma_wait3A_1030 = tpu.memref_slice %arg6[%dma_wait3A_1015, %dma_wait3A_1028, %dma_wait3A_1029] : memref<8x100x128xf32, #tpu.memory_space<vmem>> -> memref<1x50x128xf32, #tpu.memory_space<vmem>>
        %dma_wait3A_1031 = tpu.memref_squeeze %dma_wait3A_1030 : memref<1x50x128xf32, #tpu.memory_space<vmem>> -> memref<50x128xf32, #tpu.memory_space<vmem>>
        tpu.wait_dma2 semaphore(%arg8 : memref<!tpu.dma_semaphore, #tpu.memory_space<semaphore_mem>>) src(%dma_wait3A_1031 : memref<50x128xf32, #tpu.memory_space<vmem>>) dst(%dma_wait3A_1027 : memref<50x128xf32, #tpu.memory_space<hbm>>)
      } else {
      }
      %lt3A_984 = arith.constant 64 : i32
      %lt3A_985 = arith.cmpi slt, %sub3A_975, %lt3A_984 : i32
      %convert_element_type3A_986 = arith.extui %lt3A_985 : i1 to i32
      %cond3A_987 = arith.constant 0 : i32
      %cond3A_988 = arith.cmpi ne, %convert_element_type3A_986, %cond3A_987 : i32
      scf.if %cond3A_988 {
        %dma_start3A_989 = arith.constant 6 : i32
        %dma_start3A_990 = arith.constant 0 : i32
        %dma_start3A_991 = arith.constant 0 : i32
        %dma_start3A_992 = tpu.memref_slice %arg6[%dma_start3A_989, %dma_start3A_990, %dma_start3A_991] : memref<8x100x128xf32, #tpu.memory_space<vmem>> -> memref<1x100x128xf32, #tpu.memory_space<vmem>>
        %dma_start3A_993 = tpu.memref_squeeze %dma_start3A_992 : memref<1x100x128xf32, #tpu.memory_space<vmem>> -> memref<100x128xf32, #tpu.memory_space<vmem>>
        %dma_start3A_994 = arith.constant 0 : i32
        %dma_start3A_995 = tpu.memref_slice %arg5[%sub3A_975, %dma_start3A_994] : memref<64x100xi32, #tpu.memory_space<vmem>> -> memref<1x100xi32, #tpu.memory_space<vmem>>
        %dma_start3A_996 = tpu.memref_squeeze %dma_start3A_995 : memref<1x100xi32, #tpu.memory_space<vmem>> -> memref<100xi32, #tpu.memory_space<vmem>>
        %dma_start3A_997 = arith.constant 0 : i32
        %dma_start3A_998 = arith.constant 0 : i32
        %dma_start3A_999 = tpu.memref_slice %arg2[%dma_start3A_997, %dma_start3A_998] : memref<100000x128xf32, #tpu.memory_space<hbm>> -> memref<100000x128xf32, #tpu.memory_space<hbm>>
        tpu.enqueue_indirect_dma source(%dma_start3A_999 : memref<100000x128xf32, #tpu.memory_space<hbm>>) target(%dma_start3A_993 : memref<100x128xf32, #tpu.memory_space<vmem>>) offsets(%dma_start3A_996 : memref<100xi32, #tpu.memory_space<vmem>>) semaphore(%arg7 : memref<!tpu.dma_semaphore, #tpu.memory_space<semaphore_mem>>)
      } else {
      }
    }
    %scan3A_90 = arith.constant 8 : i32
    %add3A_91 = arith.constant 112 : i32
    %add3A_92 = arith.addi %mul3A_2, %add3A_91 : i32
    %add3A_93 = arith.constant 0 : i32
    %add3A_94 = arith.addi %add3A_92, %add3A_93 : i32
    %dma_wait3A = arith.constant 0 : i32
    %dma_wait3A_95 = arith.constant 0 : i32
    %dma_wait3A_96 = arith.constant 0 : i32
    %dma_wait3A_97 = tpu.memref_slice %arg6[%dma_wait3A, %dma_wait3A_95, %dma_wait3A_96] : memref<8x100x128xf32, #tpu.memory_space<vmem>> -> memref<1x50x128xf32, #tpu.memory_space<vmem>>
    %dma_wait3A_98 = tpu.memref_squeeze %dma_wait3A_97 : memref<1x50x128xf32, #tpu.memory_space<vmem>> -> memref<50x128xf32, #tpu.memory_space<vmem>>
    %dma_wait3A_99 = arith.constant 0 : i32
    %dma_wait3A_100 = arith.constant 0 : i32
    %dma_wait3A_101 = tpu.memref_slice %arg4[%dma_wait3A_99, %add3A_94, %dma_wait3A_100] : memref<50x4096x128xf32, #tpu.memory_space<hbm>> -> memref<50x1x128xf32, #tpu.memory_space<hbm>>
    %dma_wait3A_102 = tpu.memref_squeeze %dma_wait3A_101 : memref<50x1x128xf32, #tpu.memory_space<hbm>> -> memref<50x128xf32, #tpu.memory_space<hbm>>
    %dma_wait3A_103 = arith.constant 0 : i32
    %dma_wait3A_104 = arith.constant 0 : i32
    %dma_wait3A_105 = tpu.memref_slice %arg4[%dma_wait3A_103, %add3A_94, %dma_wait3A_104] : memref<50x4096x128xf32, #tpu.memory_space<hbm>> -> memref<50x1x128xf32, #tpu.memory_space<hbm>>
    %dma_wait3A_106 = tpu.memref_squeeze %dma_wait3A_105 : memref<50x1x128xf32, #tpu.memory_space<hbm>> -> memref<50x128xf32, #tpu.memory_space<hbm>>
    %dma_wait3A_107 = arith.constant 0 : i32
    %dma_wait3A_108 = arith.constant 0 : i32
    %dma_wait3A_109 = tpu.memref_slice %arg6[%dma_wait3A, %dma_wait3A_107, %dma_wait3A_108] : memref<8x100x128xf32, #tpu.memory_space<vmem>> -> memref<1x50x128xf32, #tpu.memory_space<vmem>>
    %dma_wait3A_110 = tpu.memref_squeeze %dma_wait3A_109 : memref<1x50x128xf32, #tpu.memory_space<vmem>> -> memref<50x128xf32, #tpu.memory_space<vmem>>
    tpu.wait_dma2 semaphore(%arg8 : memref<!tpu.dma_semaphore, #tpu.memory_space<semaphore_mem>>) src(%dma_wait3A_110 : memref<50x128xf32, #tpu.memory_space<vmem>>) dst(%dma_wait3A_106 : memref<50x128xf32, #tpu.memory_space<hbm>>)
    %add3A_111 = arith.constant 1 : i32
    %add3A_112 = arith.addi %add3A_92, %add3A_111 : i32
    %dma_wait3A_113 = arith.constant 0 : i32
    %dma_wait3A_114 = arith.constant 50 : i32
    %dma_wait3A_115 = arith.constant 0 : i32
    %dma_wait3A_116 = tpu.memref_slice %arg6[%dma_wait3A_113, %dma_wait3A_114, %dma_wait3A_115] : memref<8x100x128xf32, #tpu.memory_space<vmem>> -> memref<1x50x128xf32, #tpu.memory_space<vmem>>
    %dma_wait3A_117 = tpu.memref_squeeze %dma_wait3A_116 : memref<1x50x128xf32, #tpu.memory_space<vmem>> -> memref<50x128xf32, #tpu.memory_space<vmem>>
    %dma_wait3A_118 = arith.constant 0 : i32
    %dma_wait3A_119 = arith.constant 0 : i32
    %dma_wait3A_120 = tpu.memref_slice %arg4[%dma_wait3A_118, %add3A_112, %dma_wait3A_119] : memref<50x4096x128xf32, #tpu.memory_space<hbm>> -> memref<50x1x128xf32, #tpu.memory_space<hbm>>
    %dma_wait3A_121 = tpu.memref_squeeze %dma_wait3A_120 : memref<50x1x128xf32, #tpu.memory_space<hbm>> -> memref<50x128xf32, #tpu.memory_space<hbm>>
    %dma_wait3A_122 = arith.constant 0 : i32
    %dma_wait3A_123 = arith.constant 0 : i32
    %dma_wait3A_124 = tpu.memref_slice %arg4[%dma_wait3A_122, %add3A_112, %dma_wait3A_123] : memref<50x4096x128xf32, #tpu.memory_space<hbm>> -> memref<50x1x128xf32, #tpu.memory_space<hbm>>
    %dma_wait3A_125 = tpu.memref_squeeze %dma_wait3A_124 : memref<50x1x128xf32, #tpu.memory_space<hbm>> -> memref<50x128xf32, #tpu.memory_space<hbm>>
    %dma_wait3A_126 = arith.constant 50 : i32
    %dma_wait3A_127 = arith.constant 0 : i32
    %dma_wait3A_128 = tpu.memref_slice %arg6[%dma_wait3A_113, %dma_wait3A_126, %dma_wait3A_127] : memref<8x100x128xf32, #tpu.memory_space<vmem>> -> memref<1x50x128xf32, #tpu.memory_space<vmem>>
    %dma_wait3A_129 = tpu.memref_squeeze %dma_wait3A_128 : memref<1x50x128xf32, #tpu.memory_space<vmem>> -> memref<50x128xf32, #tpu.memory_space<vmem>>
    tpu.wait_dma2 semaphore(%arg8 : memref<!tpu.dma_semaphore, #tpu.memory_space<semaphore_mem>>) src(%dma_wait3A_129 : memref<50x128xf32, #tpu.memory_space<vmem>>) dst(%dma_wait3A_125 : memref<50x128xf32, #tpu.memory_space<hbm>>)
    %add3A_130 = arith.constant 114 : i32
    %add3A_131 = arith.addi %mul3A_2, %add3A_130 : i32
    %add3A_132 = arith.constant 0 : i32
    %add3A_133 = arith.addi %add3A_131, %add3A_132 : i32
    %dma_wait3A_134 = arith.constant 1 : i32
    %dma_wait3A_135 = arith.constant 0 : i32
    %dma_wait3A_136 = arith.constant 0 : i32
    %dma_wait3A_137 = tpu.memref_slice %arg6[%dma_wait3A_134, %dma_wait3A_135, %dma_wait3A_136] : memref<8x100x128xf32, #tpu.memory_space<vmem>> -> memref<1x50x128xf32, #tpu.memory_space<vmem>>
    %dma_wait3A_138 = tpu.memref_squeeze %dma_wait3A_137 : memref<1x50x128xf32, #tpu.memory_space<vmem>> -> memref<50x128xf32, #tpu.memory_space<vmem>>
    %dma_wait3A_139 = arith.constant 0 : i32
    %dma_wait3A_140 = arith.constant 0 : i32
    %dma_wait3A_141 = tpu.memref_slice %arg4[%dma_wait3A_139, %add3A_133, %dma_wait3A_140] : memref<50x4096x128xf32, #tpu.memory_space<hbm>> -> memref<50x1x128xf32, #tpu.memory_space<hbm>>
    %dma_wait3A_142 = tpu.memref_squeeze %dma_wait3A_141 : memref<50x1x128xf32, #tpu.memory_space<hbm>> -> memref<50x128xf32, #tpu.memory_space<hbm>>
    %dma_wait3A_143 = arith.constant 0 : i32
    %dma_wait3A_144 = arith.constant 0 : i32
    %dma_wait3A_145 = tpu.memref_slice %arg4[%dma_wait3A_143, %add3A_133, %dma_wait3A_144] : memref<50x4096x128xf32, #tpu.memory_space<hbm>> -> memref<50x1x128xf32, #tpu.memory_space<hbm>>
    %dma_wait3A_146 = tpu.memref_squeeze %dma_wait3A_145 : memref<50x1x128xf32, #tpu.memory_space<hbm>> -> memref<50x128xf32, #tpu.memory_space<hbm>>
    %dma_wait3A_147 = arith.constant 0 : i32
    %dma_wait3A_148 = arith.constant 0 : i32
    %dma_wait3A_149 = tpu.memref_slice %arg6[%dma_wait3A_134, %dma_wait3A_147, %dma_wait3A_148] : memref<8x100x128xf32, #tpu.memory_space<vmem>> -> memref<1x50x128xf32, #tpu.memory_space<vmem>>
    %dma_wait3A_150 = tpu.memref_squeeze %dma_wait3A_149 : memref<1x50x128xf32, #tpu.memory_space<vmem>> -> memref<50x128xf32, #tpu.memory_space<vmem>>
    tpu.wait_dma2 semaphore(%arg8 : memref<!tpu.dma_semaphore, #tpu.memory_space<semaphore_mem>>) src(%dma_wait3A_150 : memref<50x128xf32, #tpu.memory_space<vmem>>) dst(%dma_wait3A_146 : memref<50x128xf32, #tpu.memory_space<hbm>>)
    %add3A_151 = arith.constant 1 : i32
    %add3A_152 = arith.addi %add3A_131, %add3A_151 : i32
    %dma_wait3A_153 = arith.constant 1 : i32
    %dma_wait3A_154 = arith.constant 50 : i32
    %dma_wait3A_155 = arith.constant 0 : i32
    %dma_wait3A_156 = tpu.memref_slice %arg6[%dma_wait3A_153, %dma_wait3A_154, %dma_wait3A_155] : memref<8x100x128xf32, #tpu.memory_space<vmem>> -> memref<1x50x128xf32, #tpu.memory_space<vmem>>
    %dma_wait3A_157 = tpu.memref_squeeze %dma_wait3A_156 : memref<1x50x128xf32, #tpu.memory_space<vmem>> -> memref<50x128xf32, #tpu.memory_space<vmem>>
    %dma_wait3A_158 = arith.constant 0 : i32
    %dma_wait3A_159 = arith.constant 0 : i32
    %dma_wait3A_160 = tpu.memref_slice %arg4[%dma_wait3A_158, %add3A_152, %dma_wait3A_159] : memref<50x4096x128xf32, #tpu.memory_space<hbm>> -> memref<50x1x128xf32, #tpu.memory_space<hbm>>
    %dma_wait3A_161 = tpu.memref_squeeze %dma_wait3A_160 : memref<50x1x128xf32, #tpu.memory_space<hbm>> -> memref<50x128xf32, #tpu.memory_space<hbm>>
    %dma_wait3A_162 = arith.constant 0 : i32
    %dma_wait3A_163 = arith.constant 0 : i32
    %dma_wait3A_164 = tpu.memref_slice %arg4[%dma_wait3A_162, %add3A_152, %dma_wait3A_163] : memref<50x4096x128xf32, #tpu.memory_space<hbm>> -> memref<50x1x128xf32, #tpu.memory_space<hbm>>
    %dma_wait3A_165 = tpu.memref_squeeze %dma_wait3A_164 : memref<50x1x128xf32, #tpu.memory_space<hbm>> -> memref<50x128xf32, #tpu.memory_space<hbm>>
    %dma_wait3A_166 = arith.constant 50 : i32
    %dma_wait3A_167 = arith.constant 0 : i32
    %dma_wait3A_168 = tpu.memref_slice %arg6[%dma_wait3A_153, %dma_wait3A_166, %dma_wait3A_167] : memref<8x100x128xf32, #tpu.memory_space<vmem>> -> memref<1x50x128xf32, #tpu.memory_space<vmem>>
    %dma_wait3A_169 = tpu.memref_squeeze %dma_wait3A_168 : memref<1x50x128xf32, #tpu.memory_space<vmem>> -> memref<50x128xf32, #tpu.memory_space<vmem>>
    tpu.wait_dma2 semaphore(%arg8 : memref<!tpu.dma_semaphore, #tpu.memory_space<semaphore_mem>>) src(%dma_wait3A_169 : memref<50x128xf32, #tpu.memory_space<vmem>>) dst(%dma_wait3A_165 : memref<50x128xf32, #tpu.memory_space<hbm>>)
    %add3A_170 = arith.constant 116 : i32
    %add3A_171 = arith.addi %mul3A_2, %add3A_170 : i32
    %add3A_172 = arith.constant 0 : i32
    %add3A_173 = arith.addi %add3A_171, %add3A_172 : i32
    %dma_wait3A_174 = arith.constant 2 : i32
    %dma_wait3A_175 = arith.constant 0 : i32
    %dma_wait3A_176 = arith.constant 0 : i32
    %dma_wait3A_177 = tpu.memref_slice %arg6[%dma_wait3A_174, %dma_wait3A_175, %dma_wait3A_176] : memref<8x100x128xf32, #tpu.memory_space<vmem>> -> memref<1x50x128xf32, #tpu.memory_space<vmem>>
    %dma_wait3A_178 = tpu.memref_squeeze %dma_wait3A_177 : memref<1x50x128xf32, #tpu.memory_space<vmem>> -> memref<50x128xf32, #tpu.memory_space<vmem>>
    %dma_wait3A_179 = arith.constant 0 : i32
    %dma_wait3A_180 = arith.constant 0 : i32
    %dma_wait3A_181 = tpu.memref_slice %arg4[%dma_wait3A_179, %add3A_173, %dma_wait3A_180] : memref<50x4096x128xf32, #tpu.memory_space<hbm>> -> memref<50x1x128xf32, #tpu.memory_space<hbm>>
    %dma_wait3A_182 = tpu.memref_squeeze %dma_wait3A_181 : memref<50x1x128xf32, #tpu.memory_space<hbm>> -> memref<50x128xf32, #tpu.memory_space<hbm>>
    %dma_wait3A_183 = arith.constant 0 : i32
    %dma_wait3A_184 = arith.constant 0 : i32
    %dma_wait3A_185 = tpu.memref_slice %arg4[%dma_wait3A_183, %add3A_173, %dma_wait3A_184] : memref<50x4096x128xf32, #tpu.memory_space<hbm>> -> memref<50x1x128xf32, #tpu.memory_space<hbm>>
    %dma_wait3A_186 = tpu.memref_squeeze %dma_wait3A_185 : memref<50x1x128xf32, #tpu.memory_space<hbm>> -> memref<50x128xf32, #tpu.memory_space<hbm>>
    %dma_wait3A_187 = arith.constant 0 : i32
    %dma_wait3A_188 = arith.constant 0 : i32
    %dma_wait3A_189 = tpu.memref_slice %arg6[%dma_wait3A_174, %dma_wait3A_187, %dma_wait3A_188] : memref<8x100x128xf32, #tpu.memory_space<vmem>> -> memref<1x50x128xf32, #tpu.memory_space<vmem>>
    %dma_wait3A_190 = tpu.memref_squeeze %dma_wait3A_189 : memref<1x50x128xf32, #tpu.memory_space<vmem>> -> memref<50x128xf32, #tpu.memory_space<vmem>>
    tpu.wait_dma2 semaphore(%arg8 : memref<!tpu.dma_semaphore, #tpu.memory_space<semaphore_mem>>) src(%dma_wait3A_190 : memref<50x128xf32, #tpu.memory_space<vmem>>) dst(%dma_wait3A_186 : memref<50x128xf32, #tpu.memory_space<hbm>>)
    %add3A_191 = arith.constant 1 : i32
    %add3A_192 = arith.addi %add3A_171, %add3A_191 : i32
    %dma_wait3A_193 = arith.constant 2 : i32
    %dma_wait3A_194 = arith.constant 50 : i32
    %dma_wait3A_195 = arith.constant 0 : i32
    %dma_wait3A_196 = tpu.memref_slice %arg6[%dma_wait3A_193, %dma_wait3A_194, %dma_wait3A_195] : memref<8x100x128xf32, #tpu.memory_space<vmem>> -> memref<1x50x128xf32, #tpu.memory_space<vmem>>
    %dma_wait3A_197 = tpu.memref_squeeze %dma_wait3A_196 : memref<1x50x128xf32, #tpu.memory_space<vmem>> -> memref<50x128xf32, #tpu.memory_space<vmem>>
    %dma_wait3A_198 = arith.constant 0 : i32
    %dma_wait3A_199 = arith.constant 0 : i32
    %dma_wait3A_200 = tpu.memref_slice %arg4[%dma_wait3A_198, %add3A_192, %dma_wait3A_199] : memref<50x4096x128xf32, #tpu.memory_space<hbm>> -> memref<50x1x128xf32, #tpu.memory_space<hbm>>
    %dma_wait3A_201 = tpu.memref_squeeze %dma_wait3A_200 : memref<50x1x128xf32, #tpu.memory_space<hbm>> -> memref<50x128xf32, #tpu.memory_space<hbm>>
    %dma_wait3A_202 = arith.constant 0 : i32
    %dma_wait3A_203 = arith.constant 0 : i32
    %dma_wait3A_204 = tpu.memref_slice %arg4[%dma_wait3A_202, %add3A_192, %dma_wait3A_203] : memref<50x4096x128xf32, #tpu.memory_space<hbm>> -> memref<50x1x128xf32, #tpu.memory_space<hbm>>
    %dma_wait3A_205 = tpu.memref_squeeze %dma_wait3A_204 : memref<50x1x128xf32, #tpu.memory_space<hbm>> -> memref<50x128xf32, #tpu.memory_space<hbm>>
    %dma_wait3A_206 = arith.constant 50 : i32
    %dma_wait3A_207 = arith.constant 0 : i32
    %dma_wait3A_208 = tpu.memref_slice %arg6[%dma_wait3A_193, %dma_wait3A_206, %dma_wait3A_207] : memref<8x100x128xf32, #tpu.memory_space<vmem>> -> memref<1x50x128xf32, #tpu.memory_space<vmem>>
    %dma_wait3A_209 = tpu.memref_squeeze %dma_wait3A_208 : memref<1x50x128xf32, #tpu.memory_space<vmem>> -> memref<50x128xf32, #tpu.memory_space<vmem>>
    tpu.wait_dma2 semaphore(%arg8 : memref<!tpu.dma_semaphore, #tpu.memory_space<semaphore_mem>>) src(%dma_wait3A_209 : memref<50x128xf32, #tpu.memory_space<vmem>>) dst(%dma_wait3A_205 : memref<50x128xf32, #tpu.memory_space<hbm>>)
    %add3A_210 = arith.constant 118 : i32
    %add3A_211 = arith.addi %mul3A_2, %add3A_210 : i32
    %add3A_212 = arith.constant 0 : i32
    %add3A_213 = arith.addi %add3A_211, %add3A_212 : i32
    %dma_wait3A_214 = arith.constant 3 : i32
    %dma_wait3A_215 = arith.constant 0 : i32
    %dma_wait3A_216 = arith.constant 0 : i32
    %dma_wait3A_217 = tpu.memref_slice %arg6[%dma_wait3A_214, %dma_wait3A_215, %dma_wait3A_216] : memref<8x100x128xf32, #tpu.memory_space<vmem>> -> memref<1x50x128xf32, #tpu.memory_space<vmem>>
    %dma_wait3A_218 = tpu.memref_squeeze %dma_wait3A_217 : memref<1x50x128xf32, #tpu.memory_space<vmem>> -> memref<50x128xf32, #tpu.memory_space<vmem>>
    %dma_wait3A_219 = arith.constant 0 : i32
    %dma_wait3A_220 = arith.constant 0 : i32
    %dma_wait3A_221 = tpu.memref_slice %arg4[%dma_wait3A_219, %add3A_213, %dma_wait3A_220] : memref<50x4096x128xf32, #tpu.memory_space<hbm>> -> memref<50x1x128xf32, #tpu.memory_space<hbm>>
    %dma_wait3A_222 = tpu.memref_squeeze %dma_wait3A_221 : memref<50x1x128xf32, #tpu.memory_space<hbm>> -> memref<50x128xf32, #tpu.memory_space<hbm>>
    %dma_wait3A_223 = arith.constant 0 : i32
    %dma_wait3A_224 = arith.constant 0 : i32
    %dma_wait3A_225 = tpu.memref_slice %arg4[%dma_wait3A_223, %add3A_213, %dma_wait3A_224] : memref<50x4096x128xf32, #tpu.memory_space<hbm>> -> memref<50x1x128xf32, #tpu.memory_space<hbm>>
    %dma_wait3A_226 = tpu.memref_squeeze %dma_wait3A_225 : memref<50x1x128xf32, #tpu.memory_space<hbm>> -> memref<50x128xf32, #tpu.memory_space<hbm>>
    %dma_wait3A_227 = arith.constant 0 : i32
    %dma_wait3A_228 = arith.constant 0 : i32
    %dma_wait3A_229 = tpu.memref_slice %arg6[%dma_wait3A_214, %dma_wait3A_227, %dma_wait3A_228] : memref<8x100x128xf32, #tpu.memory_space<vmem>> -> memref<1x50x128xf32, #tpu.memory_space<vmem>>
    %dma_wait3A_230 = tpu.memref_squeeze %dma_wait3A_229 : memref<1x50x128xf32, #tpu.memory_space<vmem>> -> memref<50x128xf32, #tpu.memory_space<vmem>>
    tpu.wait_dma2 semaphore(%arg8 : memref<!tpu.dma_semaphore, #tpu.memory_space<semaphore_mem>>) src(%dma_wait3A_230 : memref<50x128xf32, #tpu.memory_space<vmem>>) dst(%dma_wait3A_226 : memref<50x128xf32, #tpu.memory_space<hbm>>)
    %add3A_231 = arith.constant 1 : i32
    %add3A_232 = arith.addi %add3A_211, %add3A_231 : i32
    %dma_wait3A_233 = arith.constant 3 : i32
    %dma_wait3A_234 = arith.constant 50 : i32
    %dma_wait3A_235 = arith.constant 0 : i32
    %dma_wait3A_236 = tpu.memref_slice %arg6[%dma_wait3A_233, %dma_wait3A_234, %dma_wait3A_235] : memref<8x100x128xf32, #tpu.memory_space<vmem>> -> memref<1x50x128xf32, #tpu.memory_space<vmem>>
    %dma_wait3A_237 = tpu.memref_squeeze %dma_wait3A_236 : memref<1x50x128xf32, #tpu.memory_space<vmem>> -> memref<50x128xf32, #tpu.memory_space<vmem>>
    %dma_wait3A_238 = arith.constant 0 : i32
    %dma_wait3A_239 = arith.constant 0 : i32
    %dma_wait3A_240 = tpu.memref_slice %arg4[%dma_wait3A_238, %add3A_232, %dma_wait3A_239] : memref<50x4096x128xf32, #tpu.memory_space<hbm>> -> memref<50x1x128xf32, #tpu.memory_space<hbm>>
    %dma_wait3A_241 = tpu.memref_squeeze %dma_wait3A_240 : memref<50x1x128xf32, #tpu.memory_space<hbm>> -> memref<50x128xf32, #tpu.memory_space<hbm>>
    %dma_wait3A_242 = arith.constant 0 : i32
    %dma_wait3A_243 = arith.constant 0 : i32
    %dma_wait3A_244 = tpu.memref_slice %arg4[%dma_wait3A_242, %add3A_232, %dma_wait3A_243] : memref<50x4096x128xf32, #tpu.memory_space<hbm>> -> memref<50x1x128xf32, #tpu.memory_space<hbm>>
    %dma_wait3A_245 = tpu.memref_squeeze %dma_wait3A_244 : memref<50x1x128xf32, #tpu.memory_space<hbm>> -> memref<50x128xf32, #tpu.memory_space<hbm>>
    %dma_wait3A_246 = arith.constant 50 : i32
    %dma_wait3A_247 = arith.constant 0 : i32
    %dma_wait3A_248 = tpu.memref_slice %arg6[%dma_wait3A_233, %dma_wait3A_246, %dma_wait3A_247] : memref<8x100x128xf32, #tpu.memory_space<vmem>> -> memref<1x50x128xf32, #tpu.memory_space<vmem>>
    %dma_wait3A_249 = tpu.memref_squeeze %dma_wait3A_248 : memref<1x50x128xf32, #tpu.memory_space<vmem>> -> memref<50x128xf32, #tpu.memory_space<vmem>>
    tpu.wait_dma2 semaphore(%arg8 : memref<!tpu.dma_semaphore, #tpu.memory_space<semaphore_mem>>) src(%dma_wait3A_249 : memref<50x128xf32, #tpu.memory_space<vmem>>) dst(%dma_wait3A_245 : memref<50x128xf32, #tpu.memory_space<hbm>>)
    %add3A_250 = arith.constant 120 : i32
    %add3A_251 = arith.addi %mul3A_2, %add3A_250 : i32
    %add3A_252 = arith.constant 0 : i32
    %add3A_253 = arith.addi %add3A_251, %add3A_252 : i32
    %dma_wait3A_254 = arith.constant 4 : i32
    %dma_wait3A_255 = arith.constant 0 : i32
    %dma_wait3A_256 = arith.constant 0 : i32
    %dma_wait3A_257 = tpu.memref_slice %arg6[%dma_wait3A_254, %dma_wait3A_255, %dma_wait3A_256] : memref<8x100x128xf32, #tpu.memory_space<vmem>> -> memref<1x50x128xf32, #tpu.memory_space<vmem>>
    %dma_wait3A_258 = tpu.memref_squeeze %dma_wait3A_257 : memref<1x50x128xf32, #tpu.memory_space<vmem>> -> memref<50x128xf32, #tpu.memory_space<vmem>>
    %dma_wait3A_259 = arith.constant 0 : i32
    %dma_wait3A_260 = arith.constant 0 : i32
    %dma_wait3A_261 = tpu.memref_slice %arg4[%dma_wait3A_259, %add3A_253, %dma_wait3A_260] : memref<50x4096x128xf32, #tpu.memory_space<hbm>> -> memref<50x1x128xf32, #tpu.memory_space<hbm>>
    %dma_wait3A_262 = tpu.memref_squeeze %dma_wait3A_261 : memref<50x1x128xf32, #tpu.memory_space<hbm>> -> memref<50x128xf32, #tpu.memory_space<hbm>>
    %dma_wait3A_263 = arith.constant 0 : i32
    %dma_wait3A_264 = arith.constant 0 : i32
    %dma_wait3A_265 = tpu.memref_slice %arg4[%dma_wait3A_263, %add3A_253, %dma_wait3A_264] : memref<50x4096x128xf32, #tpu.memory_space<hbm>> -> memref<50x1x128xf32, #tpu.memory_space<hbm>>
    %dma_wait3A_266 = tpu.memref_squeeze %dma_wait3A_265 : memref<50x1x128xf32, #tpu.memory_space<hbm>> -> memref<50x128xf32, #tpu.memory_space<hbm>>
    %dma_wait3A_267 = arith.constant 0 : i32
    %dma_wait3A_268 = arith.constant 0 : i32
    %dma_wait3A_269 = tpu.memref_slice %arg6[%dma_wait3A_254, %dma_wait3A_267, %dma_wait3A_268] : memref<8x100x128xf32, #tpu.memory_space<vmem>> -> memref<1x50x128xf32, #tpu.memory_space<vmem>>
    %dma_wait3A_270 = tpu.memref_squeeze %dma_wait3A_269 : memref<1x50x128xf32, #tpu.memory_space<vmem>> -> memref<50x128xf32, #tpu.memory_space<vmem>>
    tpu.wait_dma2 semaphore(%arg8 : memref<!tpu.dma_semaphore, #tpu.memory_space<semaphore_mem>>) src(%dma_wait3A_270 : memref<50x128xf32, #tpu.memory_space<vmem>>) dst(%dma_wait3A_266 : memref<50x128xf32, #tpu.memory_space<hbm>>)
    %add3A_271 = arith.constant 1 : i32
    %add3A_272 = arith.addi %add3A_251, %add3A_271 : i32
    %dma_wait3A_273 = arith.constant 4 : i32
    %dma_wait3A_274 = arith.constant 50 : i32
    %dma_wait3A_275 = arith.constant 0 : i32
    %dma_wait3A_276 = tpu.memref_slice %arg6[%dma_wait3A_273, %dma_wait3A_274, %dma_wait3A_275] : memref<8x100x128xf32, #tpu.memory_space<vmem>> -> memref<1x50x128xf32, #tpu.memory_space<vmem>>
    %dma_wait3A_277 = tpu.memref_squeeze %dma_wait3A_276 : memref<1x50x128xf32, #tpu.memory_space<vmem>> -> memref<50x128xf32, #tpu.memory_space<vmem>>
    %dma_wait3A_278 = arith.constant 0 : i32
    %dma_wait3A_279 = arith.constant 0 : i32
    %dma_wait3A_280 = tpu.memref_slice %arg4[%dma_wait3A_278, %add3A_272, %dma_wait3A_279] : memref<50x4096x128xf32, #tpu.memory_space<hbm>> -> memref<50x1x128xf32, #tpu.memory_space<hbm>>
    %dma_wait3A_281 = tpu.memref_squeeze %dma_wait3A_280 : memref<50x1x128xf32, #tpu.memory_space<hbm>> -> memref<50x128xf32, #tpu.memory_space<hbm>>
    %dma_wait3A_282 = arith.constant 0 : i32
    %dma_wait3A_283 = arith.constant 0 : i32
    %dma_wait3A_284 = tpu.memref_slice %arg4[%dma_wait3A_282, %add3A_272, %dma_wait3A_283] : memref<50x4096x128xf32, #tpu.memory_space<hbm>> -> memref<50x1x128xf32, #tpu.memory_space<hbm>>
    %dma_wait3A_285 = tpu.memref_squeeze %dma_wait3A_284 : memref<50x1x128xf32, #tpu.memory_space<hbm>> -> memref<50x128xf32, #tpu.memory_space<hbm>>
    %dma_wait3A_286 = arith.constant 50 : i32
    %dma_wait3A_287 = arith.constant 0 : i32
    %dma_wait3A_288 = tpu.memref_slice %arg6[%dma_wait3A_273, %dma_wait3A_286, %dma_wait3A_287] : memref<8x100x128xf32, #tpu.memory_space<vmem>> -> memref<1x50x128xf32, #tpu.memory_space<vmem>>
    %dma_wait3A_289 = tpu.memref_squeeze %dma_wait3A_288 : memref<1x50x128xf32, #tpu.memory_space<vmem>> -> memref<50x128xf32, #tpu.memory_space<vmem>>
    tpu.wait_dma2 semaphore(%arg8 : memref<!tpu.dma_semaphore, #tpu.memory_space<semaphore_mem>>) src(%dma_wait3A_289 : memref<50x128xf32, #tpu.memory_space<vmem>>) dst(%dma_wait3A_285 : memref<50x128xf32, #tpu.memory_space<hbm>>)
    %add3A_290 = arith.constant 122 : i32
    %add3A_291 = arith.addi %mul3A_2, %add3A_290 : i32
    %add3A_292 = arith.constant 0 : i32
    %add3A_293 = arith.addi %add3A_291, %add3A_292 : i32
    %dma_wait3A_294 = arith.constant 5 : i32
    %dma_wait3A_295 = arith.constant 0 : i32
    %dma_wait3A_296 = arith.constant 0 : i32
    %dma_wait3A_297 = tpu.memref_slice %arg6[%dma_wait3A_294, %dma_wait3A_295, %dma_wait3A_296] : memref<8x100x128xf32, #tpu.memory_space<vmem>> -> memref<1x50x128xf32, #tpu.memory_space<vmem>>
    %dma_wait3A_298 = tpu.memref_squeeze %dma_wait3A_297 : memref<1x50x128xf32, #tpu.memory_space<vmem>> -> memref<50x128xf32, #tpu.memory_space<vmem>>
    %dma_wait3A_299 = arith.constant 0 : i32
    %dma_wait3A_300 = arith.constant 0 : i32
    %dma_wait3A_301 = tpu.memref_slice %arg4[%dma_wait3A_299, %add3A_293, %dma_wait3A_300] : memref<50x4096x128xf32, #tpu.memory_space<hbm>> -> memref<50x1x128xf32, #tpu.memory_space<hbm>>
    %dma_wait3A_302 = tpu.memref_squeeze %dma_wait3A_301 : memref<50x1x128xf32, #tpu.memory_space<hbm>> -> memref<50x128xf32, #tpu.memory_space<hbm>>
    %dma_wait3A_303 = arith.constant 0 : i32
    %dma_wait3A_304 = arith.constant 0 : i32
    %dma_wait3A_305 = tpu.memref_slice %arg4[%dma_wait3A_303, %add3A_293, %dma_wait3A_304] : memref<50x4096x128xf32, #tpu.memory_space<hbm>> -> memref<50x1x128xf32, #tpu.memory_space<hbm>>
    %dma_wait3A_306 = tpu.memref_squeeze %dma_wait3A_305 : memref<50x1x128xf32, #tpu.memory_space<hbm>> -> memref<50x128xf32, #tpu.memory_space<hbm>>
    %dma_wait3A_307 = arith.constant 0 : i32
    %dma_wait3A_308 = arith.constant 0 : i32
    %dma_wait3A_309 = tpu.memref_slice %arg6[%dma_wait3A_294, %dma_wait3A_307, %dma_wait3A_308] : memref<8x100x128xf32, #tpu.memory_space<vmem>> -> memref<1x50x128xf32, #tpu.memory_space<vmem>>
    %dma_wait3A_310 = tpu.memref_squeeze %dma_wait3A_309 : memref<1x50x128xf32, #tpu.memory_space<vmem>> -> memref<50x128xf32, #tpu.memory_space<vmem>>
    tpu.wait_dma2 semaphore(%arg8 : memref<!tpu.dma_semaphore, #tpu.memory_space<semaphore_mem>>) src(%dma_wait3A_310 : memref<50x128xf32, #tpu.memory_space<vmem>>) dst(%dma_wait3A_306 : memref<50x128xf32, #tpu.memory_space<hbm>>)
    %add3A_311 = arith.constant 1 : i32
    %add3A_312 = arith.addi %add3A_291, %add3A_311 : i32
    %dma_wait3A_313 = arith.constant 5 : i32
    %dma_wait3A_314 = arith.constant 50 : i32
    %dma_wait3A_315 = arith.constant 0 : i32
    %dma_wait3A_316 = tpu.memref_slice %arg6[%dma_wait3A_313, %dma_wait3A_314, %dma_wait3A_315] : memref<8x100x128xf32, #tpu.memory_space<vmem>> -> memref<1x50x128xf32, #tpu.memory_space<vmem>>
    %dma_wait3A_317 = tpu.memref_squeeze %dma_wait3A_316 : memref<1x50x128xf32, #tpu.memory_space<vmem>> -> memref<50x128xf32, #tpu.memory_space<vmem>>
    %dma_wait3A_318 = arith.constant 0 : i32
    %dma_wait3A_319 = arith.constant 0 : i32
    %dma_wait3A_320 = tpu.memref_slice %arg4[%dma_wait3A_318, %add3A_312, %dma_wait3A_319] : memref<50x4096x128xf32, #tpu.memory_space<hbm>> -> memref<50x1x128xf32, #tpu.memory_space<hbm>>
    %dma_wait3A_321 = tpu.memref_squeeze %dma_wait3A_320 : memref<50x1x128xf32, #tpu.memory_space<hbm>> -> memref<50x128xf32, #tpu.memory_space<hbm>>
    %dma_wait3A_322 = arith.constant 0 : i32
    %dma_wait3A_323 = arith.constant 0 : i32
    %dma_wait3A_324 = tpu.memref_slice %arg4[%dma_wait3A_322, %add3A_312, %dma_wait3A_323] : memref<50x4096x128xf32, #tpu.memory_space<hbm>> -> memref<50x1x128xf32, #tpu.memory_space<hbm>>
    %dma_wait3A_325 = tpu.memref_squeeze %dma_wait3A_324 : memref<50x1x128xf32, #tpu.memory_space<hbm>> -> memref<50x128xf32, #tpu.memory_space<hbm>>
    %dma_wait3A_326 = arith.constant 50 : i32
    %dma_wait3A_327 = arith.constant 0 : i32
    %dma_wait3A_328 = tpu.memref_slice %arg6[%dma_wait3A_313, %dma_wait3A_326, %dma_wait3A_327] : memref<8x100x128xf32, #tpu.memory_space<vmem>> -> memref<1x50x128xf32, #tpu.memory_space<vmem>>
    %dma_wait3A_329 = tpu.memref_squeeze %dma_wait3A_328 : memref<1x50x128xf32, #tpu.memory_space<vmem>> -> memref<50x128xf32, #tpu.memory_space<vmem>>
    tpu.wait_dma2 semaphore(%arg8 : memref<!tpu.dma_semaphore, #tpu.memory_space<semaphore_mem>>) src(%dma_wait3A_329 : memref<50x128xf32, #tpu.memory_space<vmem>>) dst(%dma_wait3A_325 : memref<50x128xf32, #tpu.memory_space<hbm>>)
    %add3A_330 = arith.constant 124 : i32
    %add3A_331 = arith.addi %mul3A_2, %add3A_330 : i32
    %add3A_332 = arith.constant 0 : i32
    %add3A_333 = arith.addi %add3A_331, %add3A_332 : i32
    %dma_wait3A_334 = arith.constant 6 : i32
    %dma_wait3A_335 = arith.constant 0 : i32
    %dma_wait3A_336 = arith.constant 0 : i32
    %dma_wait3A_337 = tpu.memref_slice %arg6[%dma_wait3A_334, %dma_wait3A_335, %dma_wait3A_336] : memref<8x100x128xf32, #tpu.memory_space<vmem>> -> memref<1x50x128xf32, #tpu.memory_space<vmem>>
    %dma_wait3A_338 = tpu.memref_squeeze %dma_wait3A_337 : memref<1x50x128xf32, #tpu.memory_space<vmem>> -> memref<50x128xf32, #tpu.memory_space<vmem>>
    %dma_wait3A_339 = arith.constant 0 : i32
    %dma_wait3A_340 = arith.constant 0 : i32
    %dma_wait3A_341 = tpu.memref_slice %arg4[%dma_wait3A_339, %add3A_333, %dma_wait3A_340] : memref<50x4096x128xf32, #tpu.memory_space<hbm>> -> memref<50x1x128xf32, #tpu.memory_space<hbm>>
    %dma_wait3A_342 = tpu.memref_squeeze %dma_wait3A_341 : memref<50x1x128xf32, #tpu.memory_space<hbm>> -> memref<50x128xf32, #tpu.memory_space<hbm>>
    %dma_wait3A_343 = arith.constant 0 : i32
    %dma_wait3A_344 = arith.constant 0 : i32
    %dma_wait3A_345 = tpu.memref_slice %arg4[%dma_wait3A_343, %add3A_333, %dma_wait3A_344] : memref<50x4096x128xf32, #tpu.memory_space<hbm>> -> memref<50x1x128xf32, #tpu.memory_space<hbm>>
    %dma_wait3A_346 = tpu.memref_squeeze %dma_wait3A_345 : memref<50x1x128xf32, #tpu.memory_space<hbm>> -> memref<50x128xf32, #tpu.memory_space<hbm>>
    %dma_wait3A_347 = arith.constant 0 : i32
    %dma_wait3A_348 = arith.constant 0 : i32
    %dma_wait3A_349 = tpu.memref_slice %arg6[%dma_wait3A_334, %dma_wait3A_347, %dma_wait3A_348] : memref<8x100x128xf32, #tpu.memory_space<vmem>> -> memref<1x50x128xf32, #tpu.memory_space<vmem>>
    %dma_wait3A_350 = tpu.memref_squeeze %dma_wait3A_349 : memref<1x50x128xf32, #tpu.memory_space<vmem>> -> memref<50x128xf32, #tpu.memory_space<vmem>>
    tpu.wait_dma2 semaphore(%arg8 : memref<!tpu.dma_semaphore, #tpu.memory_space<semaphore_mem>>) src(%dma_wait3A_350 : memref<50x128xf32, #tpu.memory_space<vmem>>) dst(%dma_wait3A_346 : memref<50x128xf32, #tpu.memory_space<hbm>>)
    %add3A_351 = arith.constant 1 : i32
    %add3A_352 = arith.addi %add3A_331, %add3A_351 : i32
    %dma_wait3A_353 = arith.constant 6 : i32
    %dma_wait3A_354 = arith.constant 50 : i32
    %dma_wait3A_355 = arith.constant 0 : i32
    %dma_wait3A_356 = tpu.memref_slice %arg6[%dma_wait3A_353, %dma_wait3A_354, %dma_wait3A_355] : memref<8x100x128xf32, #tpu.memory_space<vmem>> -> memref<1x50x128xf32, #tpu.memory_space<vmem>>
    %dma_wait3A_357 = tpu.memref_squeeze %dma_wait3A_356 : memref<1x50x128xf32, #tpu.memory_space<vmem>> -> memref<50x128xf32, #tpu.memory_space<vmem>>
    %dma_wait3A_358 = arith.constant 0 : i32
    %dma_wait3A_359 = arith.constant 0 : i32
    %dma_wait3A_360 = tpu.memref_slice %arg4[%dma_wait3A_358, %add3A_352, %dma_wait3A_359] : memref<50x4096x128xf32, #tpu.memory_space<hbm>> -> memref<50x1x128xf32, #tpu.memory_space<hbm>>
    %dma_wait3A_361 = tpu.memref_squeeze %dma_wait3A_360 : memref<50x1x128xf32, #tpu.memory_space<hbm>> -> memref<50x128xf32, #tpu.memory_space<hbm>>
    %dma_wait3A_362 = arith.constant 0 : i32
    %dma_wait3A_363 = arith.constant 0 : i32
    %dma_wait3A_364 = tpu.memref_slice %arg4[%dma_wait3A_362, %add3A_352, %dma_wait3A_363] : memref<50x4096x128xf32, #tpu.memory_space<hbm>> -> memref<50x1x128xf32, #tpu.memory_space<hbm>>
    %dma_wait3A_365 = tpu.memref_squeeze %dma_wait3A_364 : memref<50x1x128xf32, #tpu.memory_space<hbm>> -> memref<50x128xf32, #tpu.memory_space<hbm>>
    %dma_wait3A_366 = arith.constant 50 : i32
    %dma_wait3A_367 = arith.constant 0 : i32
    %dma_wait3A_368 = tpu.memref_slice %arg6[%dma_wait3A_353, %dma_wait3A_366, %dma_wait3A_367] : memref<8x100x128xf32, #tpu.memory_space<vmem>> -> memref<1x50x128xf32, #tpu.memory_space<vmem>>
    %dma_wait3A_369 = tpu.memref_squeeze %dma_wait3A_368 : memref<1x50x128xf32, #tpu.memory_space<vmem>> -> memref<50x128xf32, #tpu.memory_space<vmem>>
    tpu.wait_dma2 semaphore(%arg8 : memref<!tpu.dma_semaphore, #tpu.memory_space<semaphore_mem>>) src(%dma_wait3A_369 : memref<50x128xf32, #tpu.memory_space<vmem>>) dst(%dma_wait3A_365 : memref<50x128xf32, #tpu.memory_space<hbm>>)
    %add3A_370 = arith.constant 126 : i32
    %add3A_371 = arith.addi %mul3A_2, %add3A_370 : i32
    %add3A_372 = arith.constant 0 : i32
    %add3A_373 = arith.addi %add3A_371, %add3A_372 : i32
    %dma_wait3A_374 = arith.constant 7 : i32
    %dma_wait3A_375 = arith.constant 0 : i32
    %dma_wait3A_376 = arith.constant 0 : i32
    %dma_wait3A_377 = tpu.memref_slice %arg6[%dma_wait3A_374, %dma_wait3A_375, %dma_wait3A_376] : memref<8x100x128xf32, #tpu.memory_space<vmem>> -> memref<1x50x128xf32, #tpu.memory_space<vmem>>
    %dma_wait3A_378 = tpu.memref_squeeze %dma_wait3A_377 : memref<1x50x128xf32, #tpu.memory_space<vmem>> -> memref<50x128xf32, #tpu.memory_space<vmem>>
    %dma_wait3A_379 = arith.constant 0 : i32
    %dma_wait3A_380 = arith.constant 0 : i32
    %dma_wait3A_381 = tpu.memref_slice %arg4[%dma_wait3A_379, %add3A_373, %dma_wait3A_380] : memref<50x4096x128xf32, #tpu.memory_space<hbm>> -> memref<50x1x128xf32, #tpu.memory_space<hbm>>
    %dma_wait3A_382 = tpu.memref_squeeze %dma_wait3A_381 : memref<50x1x128xf32, #tpu.memory_space<hbm>> -> memref<50x128xf32, #tpu.memory_space<hbm>>
    %dma_wait3A_383 = arith.constant 0 : i32
    %dma_wait3A_384 = arith.constant 0 : i32
    %dma_wait3A_385 = tpu.memref_slice %arg4[%dma_wait3A_383, %add3A_373, %dma_wait3A_384] : memref<50x4096x128xf32, #tpu.memory_space<hbm>> -> memref<50x1x128xf32, #tpu.memory_space<hbm>>
    %dma_wait3A_386 = tpu.memref_squeeze %dma_wait3A_385 : memref<50x1x128xf32, #tpu.memory_space<hbm>> -> memref<50x128xf32, #tpu.memory_space<hbm>>
    %dma_wait3A_387 = arith.constant 0 : i32
    %dma_wait3A_388 = arith.constant 0 : i32
    %dma_wait3A_389 = tpu.memref_slice %arg6[%dma_wait3A_374, %dma_wait3A_387, %dma_wait3A_388] : memref<8x100x128xf32, #tpu.memory_space<vmem>> -> memref<1x50x128xf32, #tpu.memory_space<vmem>>
    %dma_wait3A_390 = tpu.memref_squeeze %dma_wait3A_389 : memref<1x50x128xf32, #tpu.memory_space<vmem>> -> memref<50x128xf32, #tpu.memory_space<vmem>>
    tpu.wait_dma2 semaphore(%arg8 : memref<!tpu.dma_semaphore, #tpu.memory_space<semaphore_mem>>) src(%dma_wait3A_390 : memref<50x128xf32, #tpu.memory_space<vmem>>) dst(%dma_wait3A_386 : memref<50x128xf32, #tpu.memory_space<hbm>>)
    %add3A_391 = arith.constant 1 : i32
    %add3A_392 = arith.addi %add3A_371, %add3A_391 : i32
    %dma_wait3A_393 = arith.constant 7 : i32
    %dma_wait3A_394 = arith.constant 50 : i32
    %dma_wait3A_395 = arith.constant 0 : i32
    %dma_wait3A_396 = tpu.memref_slice %arg6[%dma_wait3A_393, %dma_wait3A_394, %dma_wait3A_395] : memref<8x100x128xf32, #tpu.memory_space<vmem>> -> memref<1x50x128xf32, #tpu.memory_space<vmem>>
    %dma_wait3A_397 = tpu.memref_squeeze %dma_wait3A_396 : memref<1x50x128xf32, #tpu.memory_space<vmem>> -> memref<50x128xf32, #tpu.memory_space<vmem>>
    %dma_wait3A_398 = arith.constant 0 : i32
    %dma_wait3A_399 = arith.constant 0 : i32
    %dma_wait3A_400 = tpu.memref_slice %arg4[%dma_wait3A_398, %add3A_392, %dma_wait3A_399] : memref<50x4096x128xf32, #tpu.memory_space<hbm>> -> memref<50x1x128xf32, #tpu.memory_space<hbm>>
    %dma_wait3A_401 = tpu.memref_squeeze %dma_wait3A_400 : memref<50x1x128xf32, #tpu.memory_space<hbm>> -> memref<50x128xf32, #tpu.memory_space<hbm>>
    %dma_wait3A_402 = arith.constant 0 : i32
    %dma_wait3A_403 = arith.constant 0 : i32
    %dma_wait3A_404 = tpu.memref_slice %arg4[%dma_wait3A_402, %add3A_392, %dma_wait3A_403] : memref<50x4096x128xf32, #tpu.memory_space<hbm>> -> memref<50x1x128xf32, #tpu.memory_space<hbm>>
    %dma_wait3A_405 = tpu.memref_squeeze %dma_wait3A_404 : memref<50x1x128xf32, #tpu.memory_space<hbm>> -> memref<50x128xf32, #tpu.memory_space<hbm>>
    %dma_wait3A_406 = arith.constant 50 : i32
    %dma_wait3A_407 = arith.constant 0 : i32
    %dma_wait3A_408 = tpu.memref_slice %arg6[%dma_wait3A_393, %dma_wait3A_406, %dma_wait3A_407] : memref<8x100x128xf32, #tpu.memory_space<vmem>> -> memref<1x50x128xf32, #tpu.memory_space<vmem>>
    %dma_wait3A_409 = tpu.memref_squeeze %dma_wait3A_408 : memref<1x50x128xf32, #tpu.memory_space<vmem>> -> memref<50x128xf32, #tpu.memory_space<vmem>>
    tpu.wait_dma2 semaphore(%arg8 : memref<!tpu.dma_semaphore, #tpu.memory_space<semaphore_mem>>) src(%dma_wait3A_409 : memref<50x128xf32, #tpu.memory_space<vmem>>) dst(%dma_wait3A_405 : memref<50x128xf32, #tpu.memory_space<hbm>>)
    return
  }
}

module attributes {stable_mosaic.version = 14 : i64} {
  func.func @_merge_table_body(%arg0: i32, %arg1: memref<1x8xf32, #tpu.memory_space<smem>>, %arg2: memref<10000x128xf32, #tpu.memory_space<vmem>>, %arg3: memref<8x128x16xf32, #tpu.memory_space<vmem>>, %arg4: memref<10000x128xf32, #tpu.memory_space<vmem>>) attributes {dimension_semantics = [#tpu.dimension_semantics<arbitrary>], iteration_bounds = array<i64: 10>, scalar_prefetch = 0 : i64, scratch_operands = 0 : i64, tpu.core_type = #tpu.core_type<tc>, window_params = [{transform_indices = @transform_0, window_bounds = array<i64: 1, 8>}, {transform_indices = @transform_1, window_bounds = array<i64: 10000, 128>}, {pipeline_mode = #tpu.pipeline_mode<synchronous>, transform_indices = @transform_2, window_bounds = array<i64: 8, 128, 16>}, {transform_indices = @transform_3, window_bounds = array<i64: 10000, 128>}]} {
    %get3A = arith.constant 0 : index
    %get3A_0 = arith.constant 0 : index
    %get3A_1 = memref.load %arg1[%get3A, %get3A_0] : memref<1x8xf32, #tpu.memory_space<smem>>
    %get3A_2 = arith.constant 0 : index
    %get3A_3 = arith.constant 0 : index
    %get3A_4 = arith.constant 0 : index
    %get3A_5 = vector.load %arg3[%get3A_2, %get3A_3, %get3A_4] : memref<8x128x16xf32, #tpu.memory_space<vmem>>, vector<1x128x16xf32>
    %get3A_6 = vector.shape_cast %get3A_5 : vector<1x128x16xf32> to vector<128x16xf32>
    %mul3A = vector.broadcast %get3A_1 : f32 to vector<128x16xf32>
    %mul3A_7 = arith.mulf %mul3A, %get3A_6 : vector<128x16xf32>
    %get3A_8 = arith.constant 0 : index
    %get3A_9 = arith.constant 1 : index
    %get3A_10 = memref.load %arg1[%get3A_8, %get3A_9] : memref<1x8xf32, #tpu.memory_space<smem>>
    %get3A_11 = arith.constant 1 : index
    %get3A_12 = arith.constant 0 : index
    %get3A_13 = arith.constant 0 : index
    %get3A_14 = vector.load %arg3[%get3A_11, %get3A_12, %get3A_13] : memref<8x128x16xf32, #tpu.memory_space<vmem>>, vector<1x128x16xf32>
    %get3A_15 = vector.shape_cast %get3A_14 : vector<1x128x16xf32> to vector<128x16xf32>
    %mul3A_16 = vector.broadcast %get3A_10 : f32 to vector<128x16xf32>
    %mul3A_17 = arith.mulf %mul3A_16, %get3A_15 : vector<128x16xf32>
    %get3A_18 = arith.constant 0 : index
    %get3A_19 = arith.constant 2 : index
    %get3A_20 = memref.load %arg1[%get3A_18, %get3A_19] : memref<1x8xf32, #tpu.memory_space<smem>>
    %get3A_21 = arith.constant 2 : index
    %get3A_22 = arith.constant 0 : index
    %get3A_23 = arith.constant 0 : index
    %get3A_24 = vector.load %arg3[%get3A_21, %get3A_22, %get3A_23] : memref<8x128x16xf32, #tpu.memory_space<vmem>>, vector<1x128x16xf32>
    %get3A_25 = vector.shape_cast %get3A_24 : vector<1x128x16xf32> to vector<128x16xf32>
    %mul3A_26 = vector.broadcast %get3A_20 : f32 to vector<128x16xf32>
    %mul3A_27 = arith.mulf %mul3A_26, %get3A_25 : vector<128x16xf32>
    %get3A_28 = arith.constant 0 : index
    %get3A_29 = arith.constant 3 : index
    %get3A_30 = memref.load %arg1[%get3A_28, %get3A_29] : memref<1x8xf32, #tpu.memory_space<smem>>
    %get3A_31 = arith.constant 3 : index
    %get3A_32 = arith.constant 0 : index
    %get3A_33 = arith.constant 0 : index
    %get3A_34 = vector.load %arg3[%get3A_31, %get3A_32, %get3A_33] : memref<8x128x16xf32, #tpu.memory_space<vmem>>, vector<1x128x16xf32>
    %get3A_35 = vector.shape_cast %get3A_34 : vector<1x128x16xf32> to vector<128x16xf32>
    %mul3A_36 = vector.broadcast %get3A_30 : f32 to vector<128x16xf32>
    %mul3A_37 = arith.mulf %mul3A_36, %get3A_35 : vector<128x16xf32>
    %get3A_38 = arith.constant 0 : index
    %get3A_39 = arith.constant 4 : index
    %get3A_40 = memref.load %arg1[%get3A_38, %get3A_39] : memref<1x8xf32, #tpu.memory_space<smem>>
    %get3A_41 = arith.constant 4 : index
    %get3A_42 = arith.constant 0 : index
    %get3A_43 = arith.constant 0 : index
    %get3A_44 = vector.load %arg3[%get3A_41, %get3A_42, %get3A_43] : memref<8x128x16xf32, #tpu.memory_space<vmem>>, vector<1x128x16xf32>
    %get3A_45 = vector.shape_cast %get3A_44 : vector<1x128x16xf32> to vector<128x16xf32>
    %mul3A_46 = vector.broadcast %get3A_40 : f32 to vector<128x16xf32>
    %mul3A_47 = arith.mulf %mul3A_46, %get3A_45 : vector<128x16xf32>
    %get3A_48 = arith.constant 0 : index
    %get3A_49 = arith.constant 5 : index
    %get3A_50 = memref.load %arg1[%get3A_48, %get3A_49] : memref<1x8xf32, #tpu.memory_space<smem>>
    %get3A_51 = arith.constant 5 : index
    %get3A_52 = arith.constant 0 : index
    %get3A_53 = arith.constant 0 : index
    %get3A_54 = vector.load %arg3[%get3A_51, %get3A_52, %get3A_53] : memref<8x128x16xf32, #tpu.memory_space<vmem>>, vector<1x128x16xf32>
    %get3A_55 = vector.shape_cast %get3A_54 : vector<1x128x16xf32> to vector<128x16xf32>
    %mul3A_56 = vector.broadcast %get3A_50 : f32 to vector<128x16xf32>
    %mul3A_57 = arith.mulf %mul3A_56, %get3A_55 : vector<128x16xf32>
    %get3A_58 = arith.constant 0 : index
    %get3A_59 = arith.constant 6 : index
    %get3A_60 = memref.load %arg1[%get3A_58, %get3A_59] : memref<1x8xf32, #tpu.memory_space<smem>>
    %get3A_61 = arith.constant 6 : index
    %get3A_62 = arith.constant 0 : index
    %get3A_63 = arith.constant 0 : index
    %get3A_64 = vector.load %arg3[%get3A_61, %get3A_62, %get3A_63] : memref<8x128x16xf32, #tpu.memory_space<vmem>>, vector<1x128x16xf32>
    %get3A_65 = vector.shape_cast %get3A_64 : vector<1x128x16xf32> to vector<128x16xf32>
    %mul3A_66 = vector.broadcast %get3A_60 : f32 to vector<128x16xf32>
    %mul3A_67 = arith.mulf %mul3A_66, %get3A_65 : vector<128x16xf32>
    %get3A_68 = arith.constant 0 : index
    %get3A_69 = arith.constant 7 : index
    %get3A_70 = memref.load %arg1[%get3A_68, %get3A_69] : memref<1x8xf32, #tpu.memory_space<smem>>
    %get3A_71 = arith.constant 7 : index
    %get3A_72 = arith.constant 0 : index
    %get3A_73 = arith.constant 0 : index
    %get3A_74 = vector.load %arg3[%get3A_71, %get3A_72, %get3A_73] : memref<8x128x16xf32, #tpu.memory_space<vmem>>, vector<1x128x16xf32>
    %get3A_75 = vector.shape_cast %get3A_74 : vector<1x128x16xf32> to vector<128x16xf32>
    %mul3A_76 = vector.broadcast %get3A_70 : f32 to vector<128x16xf32>
    %mul3A_77 = arith.mulf %mul3A_76, %get3A_75 : vector<128x16xf32>
    %concatenate3A = tpu.concatenate %mul3A_7, %mul3A_17, %mul3A_27, %mul3A_37, %mul3A_47, %mul3A_57, %mul3A_67, %mul3A_77 in 1 : vector<128x16xf32>, vector<128x16xf32>, vector<128x16xf32>, vector<128x16xf32>, vector<128x16xf32>, vector<128x16xf32>, vector<128x16xf32>, vector<128x16xf32> -> vector<128x128xf32>
    %get3A_78 = arith.constant 0 : index
    %get3A_79 = arith.constant 0 : index
    %get3A_80 = vector.load %arg2[%get3A_78, %get3A_79] : memref<10000x128xf32, #tpu.memory_space<vmem>>, vector<10000x128xf32>
    %dot_general3A = arith.constant dense<0.000000e+00> : vector<10000x128xf32>
    %dot_general3A_81 = tpu.matmul %get3A_80, %concatenate3A, %dot_general3A {dimension_numbers = #tpu.dot_dimension_numbers<[1], [1], [0], [0], [0, 0, 1, 0], [], []>, transpose_lhs_hint = false} : vector<10000x128xf32>, vector<128x128xf32>, vector<10000x128xf32> -> vector<10000x128xf32>
    %swap3A = arith.constant 0 : index
    %swap3A_82 = arith.constant 0 : index
    %swap3A_83 = vector.load %arg4[%swap3A, %swap3A_82] : memref<10000x128xf32, #tpu.memory_space<vmem>>, vector<10000x128xf32>
    tpu.vector_store %arg4[%swap3A, %swap3A_82], %dot_general3A_81 {strides = array<i32>} : memref<10000x128xf32, #tpu.memory_space<vmem>>, vector<10000x128xf32>,
    return
  }
  func.func @transform_0(%arg0: i32) -> (i32, i32) {
    %c0_i32 = arith.constant 0 : i32
    %c0_i32_0 = arith.constant 0 : i32
    %c0_i32_1 = arith.constant 0 : i32
    return %c0_i32, %c0_i32_0 : i32, i32
  }
  func.func @transform_1(%arg0: i32) -> (i32, i32) {
    %c0_i32 = arith.constant 0 : i32
    %c0_i32_0 = arith.constant 0 : i32
    return %arg0, %c0_i32 : i32, i32
  }
  func.func @transform_2(%arg0: i32) -> (i32, i32, i32) {
    %c0_i32 = arith.constant 0 : i32
    %c0_i32_0 = arith.constant 0 : i32
    %c0_i32_1 = arith.constant 0 : i32
    %c0_i32_2 = arith.constant 0 : i32
    return %c0_i32, %c0_i32_0, %c0_i32_1 : i32, i32, i32
  }
  func.func @transform_3(%arg0: i32) -> (i32, i32) {
    %c0_i32 = arith.constant 0 : i32
    %c0_i32_0 = arith.constant 0 : i32
    return %arg0, %c0_i32 : i32, i32
  }
}

</mosaic_0001>

<sc_bundles>
// kernel: kernel.4.cloned.1.call-start
scs
__scs_entry_jumppad:
0x0: {  	(pc) =	sbr.rel $0x88, $3  }
0x1: {  	(tag) =	ssettag $0x0;
	lr =	simm.s32 $0x1  }
0x2: {  	[smem:$0x3F9D] =	sst lr;
	_ =	strace $0xD0000000  }
0x3: {  	_ = 	snop  }
0x4: {  	_ = 	snop  }
0x5: {  	_ = 	snop  }
0x6: {  	_ = 	snop  }
0x7: {  	_ = 	snop  }
__scs_overlays_trampoline_lowered:
0x8: {  	[smem:$0x3FAC] =	sst s0  }
0x9: {  	[smem:$0x3FAD] =	sst s1  }
0xa: {  	[smem:$0x3FAE] =	sst s2  }
0xb: {  	[smem:$0x3FAF] =	sst s3  }
0xc: {  	[smem:$0x3FB0] =	sst s4  }
0xd: {  	[smem:$0x3FB1] =	sst s5  }
0xe: {  	[smem:$0x3FB2] =	sst s6  }
0xf: {  	[smem:$0x3FB3] =	sst s7  }
0x10: {  	[smem:$0x3FB4] =	sst s8  }
0x11: {  	[smem:$0x3FB5] =	sst s9;
	s0 =	simm.s32 @!p0 $0x0  }
0x12: {  	s1 =	sld [smem:$0x3F9B];
	s0 =	simm.s32 @p0 $0x1  }
0x13: {  	[smem:$0x3FB6] =	sst s0;
	s0 =	simm.s32 @!p1 $0x0  }
0x14: {  	s2 =	sld [smem:$0x3F9A];
	s0 =	simm.s32 @p1 $0x1  }
0x15: {  	[smem:$0x3FB7] =	sst s0;
	s0 =	simm.s32 @!p2 $0x0  }
0x16: {  	s3 =	sld [smem:$0x3FDB];
	s0 =	simm.s32 @p2 $0x1  }
0x17: {  	s4 =	simm.s32 $0x1BF5;
	[smem:$0x3FB9] =	sst s0  }
0x18: {  	s0 =	sld [smem:$0x3F9C];
	_ =	swait.ge [sflag:s4], $0x0  }
0x19: {  	s7 =	sld [smem:$0x3F9D]  }
0x1a: {  	s8 =	sadd.s32 $0xFFFFE003, lr  }
0x1b: {  	s9 =	sadd.s32 $0xFFFFFEF7, lr;
	s5 =	simm.s32 $0xFFFFFFFF;
	p2 =	slt.u32 s8, $0xFFFFF086  }
0x1c: {  	p1 =	slt.u32 s9, $0xF7A;
	s5 =	simm.s32 @!p2 $0x0  }
0x1d: {  	s5 =	simm.s32 @p1 $0x1;
	p0 =	seq.s32 s7, s2  }
0x1e: {  	s7 =	smul.u32 @!p0 $0xF7A, s2;
	p2 =	seq.s32 @!p0 s5, $0x0  }
0x1f: {  	s9 =	smul.u32 $0xF7A, s1;
	s8 =	simm.s32 @!p0 $0x1BF5;
	p2 =	por !p2, p0  }
0x20: {  	[sflag:s8] =	ssyncset.s32 @!p0 $0xFFFFF086;
	s6 =	sadd.s32 @!p0 s3, s7;
	s7 =	simm.s32 @!p0 $0x108  }
0x21: {  	s3 =	sadd.s32 s3, s9;
	s6 =	sadd.s32 @!p0 $0x88, s6;
	s7 =	simm.s32 @p2 $0x1082  }
0x22: {  	[simem:s7], [sflag:s8] =	dma.local @!p0 [hbm:s6], $0xF7A  }
0x23: {  	s9 =	sor.u32 $0xD0000000, s2;
	s6 =	simm.s32 $0x108;
	_ =	swait.ge @!p0 [sflag:s8], $0x0  }
0x24: {  	s3 =	sadd.s32 $0x88, s3;
	s6 =	simm.s32 @!p1 $0x1082;
	[sflag:s4] =	ssyncset.s32 $0xFFFFF086  }
0x25: {  	[simem:s6], [sflag:s4] =	dma.local [hbm:s3], $0xF7A  }
0x26: {  	[smem:$0x3F9D] =	sst s1;
	(tag) =	ssettag s2;
	_ =	strace s9  }
0x27: {  	s1 =	sld [smem:$0x3FAD]  }
0x28: {  	s2 =	sld [smem:$0x3FAE]  }
0x29: {  	s4 =	sld [smem:$0x3FB0]  }
0x2a: {  	p0 =	seq.s32 s5, $0x0;
	s5 =	sld [smem:$0x3FB1]  }
0x2b: {  	s6 =	sld [smem:$0x3FB2]  }
0x2c: {  	s7 =	sld [smem:$0x3FB3]  }
0x2d: {  	s3 =	simm.s32 $0x108;
	s8 =	sld [smem:$0x3FB4]  }
0x2e: {  	s3 =	simm.s32 @!p0 $0x1082;
	s9 =	sld [smem:$0x3FB5]  }
0x2f: {  	lr =	sadd.s32 s0, s3;
	s0 =	sld [smem:$0x3FAC]  }
0x30: {  	s3 =	sld [smem:$0x3FAF]  }
0x31: {  	[smem:$0x3FB8] =	sst s10  }
0x32: {  	s10 =	sld [smem:$0x3FB6];
	_ =	sdelay $0x3  }
0x33: {  	p0 =	seq.s32 s10, $0x1;
	s10 =	sld [smem:$0x3FB8];
	_ =	sdelay $0x3  }
0x34: {  	[smem:$0x3FB8] =	sst s10  }
0x35: {  	s10 =	sld [smem:$0x3FB7];
	_ =	sdelay $0x3  }
0x36: {  	p1 =	seq.s32 s10, $0x1;
	s10 =	sld [smem:$0x3FB8];
	_ =	sdelay $0x3  }
0x37: {  	[smem:$0x3FB8] =	sst s10  }
0x38: {  	s10 =	sld [smem:$0x3FB9]  }
0x39: {  	_ = 	snop;
	(pc) =	sbr.ind lr, $3  }
0x3a: {  	_ = 	snop  }
0x3b: {  	_ = 	snop  }
0x3c: {  	p2 =	seq.s32 s10, $0x1;
	s10 =	sld [smem:$0x3FB8]  }
0x3d: {  	_ =	shalt  }
0x3e: {  	_ =	shalt  }
0x3f: {  	_ =	shalt  }
0x40: {  	_ =	shalt  }
0x41: {  	_ =	shalt  }
0x42: {  	_ =	shalt  }
0x43: {  	_ =	shalt  }
0x44: {  	_ =	shalt  }
0x45: {  	_ =	shalt  }
0x46: {  	_ =	shalt  }
0x47: {  	_ =	shalt  }
0x48: {  	_ =	shalt  }
0x49: {  	_ =	shalt  }
0x4a: {  	_ =	shalt  }
0x4b: {  	_ =	shalt  }
0x4c: {  	_ =	shalt  }
0x4d: {  	_ =	shalt  }
0x4e: {  	_ =	shalt  }
0x4f: {  	_ =	shalt  }
0x50: {  	_ =	shalt  }
0x51: {  	_ =	shalt  }
0x52: {  	_ =	shalt  }
0x53: {  	_ =	shalt  }
0x54: {  	_ =	shalt  }
0x55: {  	_ =	shalt  }
0x56: {  	_ =	shalt  }
0x57: {  	_ =	shalt  }
0x58: {  	_ =	shalt  }
0x59: {  	_ =	shalt  }
0x5a: {  	_ =	shalt  }
0x5b: {  	_ =	shalt  }
0x5c: {  	_ =	shalt  }
0x5d: {  	_ =	shalt  }
0x5e: {  	_ =	shalt  }
0x5f: {  	_ =	shalt  }
0x60: {  	_ =	shalt  }
0x61: {  	_ =	shalt  }
0x62: {  	_ =	shalt  }
0x63: {  	_ =	shalt  }
0x64: {  	_ =	shalt  }
0x65: {  	_ =	shalt  }
0x66: {  	_ =	shalt  }
0x67: {  	_ =	shalt  }
0x68: {  	_ =	shalt  }
0x69: {  	_ =	shalt  }
0x6a: {  	_ =	shalt  }
0x6b: {  	_ =	shalt  }
0x6c: {  	_ =	shalt  }
0x6d: {  	_ =	shalt  }
0x6e: {  	_ =	shalt  }
0x6f: {  	_ =	shalt  }
0x70: {  	_ =	shalt  }
0x71: {  	_ =	shalt  }
0x72: {  	_ =	shalt  }
0x73: {  	_ =	shalt  }
0x74: {  	_ =	shalt  }
0x75: {  	_ =	shalt  }
0x76: {  	_ =	shalt  }
0x77: {  	_ =	shalt  }
0x78: {  	_ =	shalt  }
0x79: {  	_ =	shalt  }
0x7a: {  	_ =	shalt  }
0x7b: {  	_ =	shalt  }
0x7c: {  	_ =	shalt  }
0x7d: {  	_ =	shalt  }
0x7e: {  	_ =	shalt  }
0x7f: {  	_ =	shalt  }
0x80: {  	_ =	shalt  }
0x81: {  	_ =	shalt  }
0x82: {  	_ =	shalt  }
0x83: {  	_ =	shalt  }
0x84: {  	_ =	shalt  }
0x85: {  	_ =	shalt  }
0x86: {  	_ =	shalt  }
0x87: {  	_ =	shalt  }
.Lfunc_end0:
.L_simem_size_0:
called_computation_lowered:
.L_overlay_start_0:
0x88: {  	s2 =	sld [smem:$0x3FD9]  }
0x89: {  	s3 =	sld [smem:$0x3FFE];
	_ =	sdelay $0x1  }
0x8a: {  	s1 =	srdreg.scid  }
0x8b: {  	s0 =	sand.u32 $0x1, s1  }
0x8c: {  	s17 =	sshll.u32 s0, $0xA;
	s2 =	sadd.s32 s3, s2  }
0x8d: {  	s2 =	sadd.s32 s2, s17  }
0x8e: {  	[smem:$0x3FC4] =	sst s2  }
0x8f: {  	_ = 	snop  }
0x90: {  	s2 =	sld [smem:$0x3FD0];
	(tm) =	ssettm $0x1  }
0x91: {  	s18 =	sld [smem:$0x3FFB];
	_ =	sdelay $0x3  }
0x92: {  	_ =	strace s18  }
0x93: {  	s3 =	sld [smem:$0x3FFC];
	_ =	sdelay $0x3  }
0x94: {  	_ =	strace s3  }
0x95: {  	s3 =	sld [smem:$0x3FFD];
	_ =	sdelay $0x3  }
0x96: {  	_ =	strace s3  }
0x97: {  	_ =	strace $0x8FFFFFFF  }
0x98: {  	s19 =	sld [smem:$0x3FDB];
	_ =	sdelay $0x1  }
0x99: {  	s4 =	simm.s32 $_scs_section_size  }
0x9a: {  	s5 =	simm.s32 $_size__tile_overlayer_lowered;
	s6 =	simm.s32 $_tile_overlayer_lowered  }
0x9b: {  	s22 =	simm.s32 $0x1BFF;
	s21 =	sshll.u32 s6, $0x1;
	s3 =	sadd.s32 s4, s19  }
0x9c: {  	s7 =	simm.s32 $0x0;
	s20 =	sshll.u32 s5, $0x1;
	s5 =	sadd.s32 s21, s3  }
0x9d: {  	[timem:s7], [sflag:s22] =	dma.local [hbm:s5], s20  }
0x9e: {  	_ =	swait.ge [sflag:s22], s20  }
0x9f: {  	s4 =	ssub.s32 $0x0, s20;
	[sflag:s22] =	ssyncset.done $0x0  }
0xa0: {  	[sflag:s22] =	ssyncadd.s32 s4;
	_ =	sdelay $0x1  }
0xa1: {  	s23 =	simm.s32 $0x1B8B  }
0xa2: {  	_ =	swait.ge [sflag:s23], $0x1  }
0xa3: {  	[sflag:s23] =	ssyncset.done $0x0  }
0xa4: {  	s25 =	simm.s32 $0x1B8E;
	s24 =	sld [smem:$0x3FFE];
	[sflag:s23] =	ssyncadd.s32 $0xFFFFFFFF  }
0xa5: {  	s26 =	simm.s32 $execute0_lowered;
	[smem:$0x3FD2] =	sst s25  }
0xa6: {  	s5 =	sshll.u32 s26, $0x1;
	_ =	strace $0x80000046;
	[dreg:$0x1] =	wrdreg $0xFFFFFFFF  }
0xa7: {  	s28 =	simm.s32 $_size_execute0_lowered;
	s3 =	sadd.s32 s3, s5;
	[dreg:$0x0] =	wrdreg $0x0  }
0xa8: {  	s5 =	sshll.u32 s28, $0x1;
	[dreg:$0x2] =	wrdreg s3  }
0xa9: {  	[dreg:$0x3] =	wrdreg s5  }
0xaa: {  	[dreg:$0x4] =	wrdreg $0xC0  }
0xab: {  	_ =	task [dreg:s7], $0x5FFFF  }
0xac: {  	[dreg:$0x1] =	wrdreg $0xFFFFFFFF  }
0xad: {  	[dreg:$0x0] =	wrdreg $0x60  }
0xae: {  	[dreg:$0x2] =	wrdreg s24  }
0xaf: {  	[dreg:$0x3] =	wrdreg s2  }
0xb0: {  	[dreg:$0x4] =	wrdreg $0x9  }
0xb1: {  	_ =	task.clear_ibuf [dreg:s7], $0x5FFFF;
	_ =	strace $0x90000046  }
0xb2: {  	s29 =	simm.s32 $0x9;
	_ =	strace $0x80000048  }
0xb3: {  	_ =	swait.ge [sflag:s29], $0x1  }
0xb4: {  	[sflag:s29] =	ssyncadd.s32 $0xFFFFFFFF  }
0xb5: {  	_ =	strace $0x90000048  }
0xb6: {  	_ =	sfence  }
0xb7: {  	s30 =	sld [smem:$0x0];
	_ =	sdelay $0x2  }
0xb8: {  	s31 =	sshll.u32 s1, $0xD;
	s1 =	sshrl.u32 s1, $0x2  }
0xb9: {  	s3 =	sand.u32 $0x4000, s31;
	s1 =	sadd.s32 s1, s30  }
0xba: {  	s0 =	sor.u32 s3, s0;
	s1 =	sshll.u32 s1, $0x11  }
0xbb: {  	s0 =	sor.u32 s1, s0  }
0xbc: {  	s0 =	sadd.s32 $0x8F2B, s0  }
0xbd: {  	[sflag:s0] =	ssyncadd.remote.s32 $0x1  }
0xbe: {  	_ =	sfence.sel $0xFFFF  }
0xbf: {  	[dreg:$0x0] =	wrdreg $0xFFFFFFFF;
	(pc) =	sbr.abs _section_cstart, $3  }
0xc0: {  	[dreg:$0x1] =	wrdreg $0xFFFFFFFF  }
0xc1: {  	_ =	task.clear_ibuf [dreg:s7], $0x2FFFF;
	_ =	strace $0x9FFFFFFF  }
0xc2: {  	(tm) =	ssettm $0x7FFFFFFF  }
0xc3: {  	_ =	shalt  }
tec
execute0_lowered:
.L_overlay_start_1:
0x0: {  	(tag) =	ssettag $0x1  }
0x1: {  	s0 =	rddreg [dreg:$0x0]  }
0x2: {  	s1 =	rddreg [dreg:$0x1]  }
0x3: {  	s2 =	srdreg.scid;
	s3 =	simm.s32 $0x0;
	s6 =	stileid.u32  }
0x4: {  	s12 =	simm.s32 $0x64;
	s14 =	simm.s32 $0x80;
	s19 =	simm.s32 $0xBC00  }
0x5: {  	s21 =	simm.s32 $0xF000;
	s28 =	simm.s32 $0x80000;
	s29 =	simm.s32 $0x3900  }
0x6: {  	s30 =	simm.s32 $0x18C00;
	s31 =	simm.s32 $0x6D00;
	s16 =	simm.s32 $0x10900  }
0x7: {  	s18 =	simm.s32 $0x13D00;
	s20 =	simm.s32 $0x17100;
	s22 =	simm.s32 $0x1A500  }
0x8: {  	s2 =	sand.u32 $0x1, s2;
	[smem:$0x7FF] =	sst s3;
	s23 =	sshll.u32 s6, $0xB  }
0x9: {  	s3 =	sadd.s32 $0x8600, s0;
	s6 =	sshll.u32 s6, $0xC;
	s4 =	sshll.u32 s2, $0xA  }
0xa: {  	_ =	strace $0x80000047;
	s24 =	ssub.s32 $0x2, s2;
	s2 =	sshll.u32 s2, $0xB  }
0xb: {  	s26 =	sadd.s32 s6, s1;
	s4 =	sor.u32 s4, s23;
	s5 =	sshrl.u32 s24, $0x1  }
0xc: {  	s25 =	sor.u32 s2, s6;
	s6 =	sadd.s32 s2, s26;
	s0 =	sadd.s32 s4, s0  }
0xd: {  	s23 =	simm.s32 $0x12400;
	s4 =	ssub.s32 s24, s5;
	s0 =	sadd.s32 $0x600, s0  }
.Ltmp0:
0xe: {  	s4 =	smax.u32 s4, $0x1;
	[dreg:$0x3] =	wrdreg s0;
	(pc) =	sbr.rel .LBB2_1-.Ltmp0, $4  }
0xf: {  	s26 =	simm.s32 $0x1;
	s24 =	simm.s32 $0x2;
	[dreg:$0x4] =	wrdreg s4  }
0x10: {  	s0 =	sadd.s32 s25, s1;
	s25 =	simm.s32 $0x15800;
	s1 =	simm.s32 $0xD500  }
0x11: {  	s4 =	simm.s32 $0x0;
	s7 =	sadd.s32 $0xD0, s0;
	s8 =	sadd.s32 $0xB0, s0  }
0x12: {  	s9 =	sadd.s32 $0x80, s0;
	s10 =	sadd.s32 $0xF0, s0;
	s0 =	simm.s32 $0xA100  }
.LBB2_4:
0x13: {  	_ =	swait.ge [sflag:s24], $0x1900  }
0x14: {  	[sflag:s24] =	ssyncset.done $0x0  }
0x15: {  	[sflag:s24] =	ssyncadd.s32 $0xFFFFE700  }
0x16: {  	_ =	swait.ge [sflag:s24], $0x1900  }
0x17: {  	[sflag:s24] =	ssyncset.done $0x0  }
0x18: {  	[sflag:s24] =	ssyncadd.s32 $0xFFFFE700  }
0x19: {  	_ =	swait.ge [sflag:s24], $0x1900  }
0x1a: {  	[sflag:s24] =	ssyncset.done $0x0  }
0x1b: {  	[sflag:s24] =	ssyncadd.s32 $0xFFFFE700  }
0x1c: {  	_ =	swait.ge [sflag:s24], $0x1900  }
0x1d: {  	[sflag:s24] =	ssyncset.done $0x0  }
0x1e: {  	[sflag:s24] =	ssyncadd.s32 $0xFFFFE700  }
0x1f: {  	_ =	swait.ge [sflag:s24], $0x1900  }
0x20: {  	[sflag:s24] =	ssyncset.done $0x0  }
0x21: {  	[sflag:s24] =	ssyncadd.s32 $0xFFFFE700  }
0x22: {  	_ =	swait.ge [sflag:s24], $0x1900  }
0x23: {  	[sflag:s24] =	ssyncset.done $0x0  }
0x24: {  	[sflag:s24] =	ssyncadd.s32 $0xFFFFE700  }
0x25: {  	_ =	swait.ge [sflag:s24], $0x1900  }
0x26: {  	[sflag:s24] =	ssyncset.done $0x0  }
0x27: {  	[sflag:s24] =	ssyncadd.s32 $0xFFFFE700  }
0x28: {  	_ =	swait.ge [sflag:s24], $0x1900  }
0x29: {  	[sflag:s24] =	ssyncset.done $0x0  }
0x2a: {  	[sflag:s24] =	ssyncadd.s32 $0xFFFFE700  }
0x2b: {  	_ =	swait.ge [sflag:s24], $0x1900  }
0x2c: {  	[sflag:s24] =	ssyncset.done $0x0  }
0x2d: {  	[sflag:s24] =	ssyncadd.s32 $0xFFFFE700  }
0x2e: {  	_ =	swait.ge [sflag:s24], $0x1900  }
0x2f: {  	[sflag:s24] =	ssyncset.done $0x0  }
0x30: {  	[sflag:s24] =	ssyncadd.s32 $0xFFFFE700  }
0x31: {  	_ =	swait.ge [sflag:s24], $0x1900  }
0x32: {  	[sflag:s24] =	ssyncset.done $0x0  }
0x33: {  	[sflag:s24] =	ssyncadd.s32 $0xFFFFE700  }
0x34: {  	_ =	swait.ge [sflag:s24], $0x1900  }
0x35: {  	[sflag:s24] =	ssyncset.done $0x0  }
0x36: {  	[sflag:s24] =	ssyncadd.s32 $0xFFFFE700  }
0x37: {  	_ =	swait.ge [sflag:s24], $0x1900  }
0x38: {  	[sflag:s24] =	ssyncset.done $0x0  }
0x39: {  	[sflag:s24] =	ssyncadd.s32 $0xFFFFE700  }
0x3a: {  	_ =	swait.ge [sflag:s24], $0x1900  }
0x3b: {  	s4 =	rddreg [dreg:$0x5]  }
0x3c: {  	s2 =	rddreg [dreg:$0x4];
	s4 =	sadd.s32 $0x1, s4  }
0x3d: {  	p0 =	sne.s32 s4, s2  }
.Ltmp1:
0x3e: {  	_ = 	snop;
	(pc) =	sbr.rel @!p0 .LBB2_5-.Ltmp1, $3  }
0x3f: {  	_ =	sdelay $0x1  }
0x40: {  	[sflag:s24] =	ssyncset.done $0x0  }
0x41: {  	[sflag:s24] =	ssyncadd.s32 $0xFFFFE700  }
.LBB2_1:
0x42: {  	[dreg:$0x5] =	wrdreg s4  }
0x43: {  	s2 =	simm.s32 $0x0;
	s11 =	rddreg [dreg:$0x3];
	s13 =	simm.s32 $0x3  }
0x44: {  	[tilespmem:s2], [sflag:$0x3] =	stream.linear.gather [hbm4b:s11+s2], $0x2000, $0x38;
	[tilespmem:$0x1C000] =	vst v63  }
0x45: {  	_ =	swait.ge [sflag:s13], $0x2000  }
0x46: {  	[sflag:s13] =	ssyncset.done $0x0  }
0x47: {  	s15 =	simm.s32 $0x2000;
	[sflag:s13] =	ssyncadd.s32 $0xFFFFE000  }
0x48: {  	[tilespmem:s15], [sflag:$0x1] =	stream.indirect.gather [hbm4b:s3+s12], $0x80, s2, s12, $0xb8;
	[tilespmem:$0x1C000] =	vst v63  }
0x49: {  	s17 =	simm.s32 $0x5400  }
0x4a: {  	[tilespmem:s17], [sflag:$0x1] =	stream.indirect.gather [hbm4b:s3+s12], $0x80, s14, s12, $0xb8;
	[tilespmem:$0x1C000] =	vst v63  }
0x4b: {  	s4 =	simm.s32 $0x100;
	s5 =	simm.s32 $0x8800  }
0x4c: {  	[tilespmem:s5], [sflag:$0x1] =	stream.indirect.gather [hbm4b:s3+s12], $0x80, s4, s12, $0xb8;
	[tilespmem:$0x1C000] =	vst v63  }
0x4d: {  	s11 =	simm.s32 $0x180  }
0x4e: {  	[tilespmem:s19], [sflag:$0x1] =	stream.indirect.gather [hbm4b:s3+s12], $0x80, s11, s12, $0xb8;
	[tilespmem:$0x1C000] =	vst v63  }
0x4f: {  	s13 =	simm.s32 $0x200  }
0x50: {  	[tilespmem:s21], [sflag:$0x1] =	stream.indirect.gather [hbm4b:s3+s12], $0x80, s13, s12, $0xb8;
	[tilespmem:$0x1C000] =	vst v63  }
0x51: {  	s15 =	simm.s32 $0x280  }
0x52: {  	[tilespmem:s23], [sflag:$0x1] =	stream.indirect.gather [hbm4b:s3+s12], $0x80, s15, s12, $0xb8;
	[tilespmem:$0x1C000] =	vst v63  }
0x53: {  	s17 =	simm.s32 $0x300;
	s4 =	simm.s32 $0x700;
	s5 =	simm.s32 $0x0  }
0x54: {  	[tilespmem:s25], [sflag:$0x1] =	stream.indirect.gather [hbm4b:s3+s12], $0x80, s17, s12, $0xb8;
	[tilespmem:$0x1C000] =	vst v63  }
.LBB2_2:
0x55: {  	_ =	swait.ge [sflag:s26], $0x3200  }
0x56: {  	s11 =	sadd.s32 s5, s6;
	[sflag:s26] =	ssyncset.done $0x0  }
0x57: {  	s2 =	simm.s32 $0x2000;
	p0 =	seq.s32 s5, $0x0;
	[sflag:s26] =	ssyncadd.s32 $0xFFFFCE00  }
0x58: {  	[hbm4b:s11+s14] =	stream.strided.scatter [tilespmem:s2], [sflag:$0x2], $0x1900, s28, s14, $0x38;
	[tilespmem:$0x1C000] =	vst v63  }
0x59: {  	s13 =	sadd.s32 $0x10, s11;
	s2 =	simm.s32 @!p0 $0x2  }
0x5a: {  	[hbm4b:s13+s14] =	stream.strided.scatter [tilespmem:s29], [sflag:$0x2], $0x1900, s28, s14, $0x38;
	[tilespmem:$0x1C000] =	vst v63  }
0x5b: {  	_ =	swait.ge @!p0 [sflag:s2], $0x1900  }
0x5c: {  	[sflag:s2] =	ssyncset.done @!p0 $0x0  }
0x5d: {  	[sflag:s2] =	ssyncadd.s32 @!p0 $0xFFFFE700  }
0x5e: {  	_ =	swait.ge @!p0 [sflag:s2], $0x1900  }
0x5f: {  	[sflag:s2] =	ssyncset.done @!p0 $0x0  }
0x60: {  	s15 =	sadd.s32 $0xFFFFFC80, s4;
	[sflag:s2] =	ssyncadd.s32 @!p0 $0xFFFFE700  }
0x61: {  	[tilespmem:s30], [sflag:$0x1] =	stream.indirect.gather [hbm4b:s3+s12], $0x80, s15, s12, $0xb8;
	[tilespmem:$0x1C000] =	vst v63  }
0x62: {  	_ =	swait.ge [sflag:s26], $0x3200  }
0x63: {  	s17 =	sadd.s32 $0x20, s11;
	[sflag:s26] =	ssyncset.done $0x0  }
0x64: {  	s13 =	simm.s32 $0x5400;
	p0 =	seq.s32 s5, $0x700;
	[sflag:s26] =	ssyncadd.s32 $0xFFFFCE00  }
0x65: {  	[hbm4b:s17+s14] =	stream.strided.scatter [tilespmem:s13], [sflag:$0x2], $0x1900, s28, s14, $0x38;
	[tilespmem:$0x1C000] =	vst v63  }
0x66: {  	s15 =	sadd.s32 $0x30, s11;
	s2 =	simm.s32 @!p0 $0x2  }
0x67: {  	[hbm4b:s15+s14] =	stream.strided.scatter [tilespmem:s31], [sflag:$0x2], $0x1900, s28, s14, $0x38;
	[tilespmem:$0x1C000] =	vst v63  }
0x68: {  	_ =	swait.ge @!p0 [sflag:s2], $0x1900  }
0x69: {  	[sflag:s2] =	ssyncset.done @!p0 $0x0  }
0x6a: {  	[sflag:s2] =	ssyncadd.s32 @!p0 $0xFFFFE700  }
0x6b: {  	_ =	swait.ge @!p0 [sflag:s2], $0x1900  }
0x6c: {  	s13 =	simm.s32 @!p0 $0x64;
	[sflag:s2] =	ssyncset.done @!p0 $0x0  }
0x6d: {  	s17 =	simm.s32 @!p0 $0x2000;
	s15 =	sadd.s32 @!p0 $0xFFFFFD00, s4;
	[sflag:s2] =	ssyncadd.s32 @!p0 $0xFFFFE700  }
0x6e: {  	[tilespmem:s17], [sflag:$0x1] =	stream.indirect.gather @!p0 [hbm4b:s3+s13], $0x80, s15, s13, $0xb8;
	[tilespmem:$0x1C000] =	vst v63  }
0x6f: {  	_ =	swait.ge [sflag:s26], $0x3200  }
0x70: {  	[sflag:s26] =	ssyncset.done $0x0  }
0x71: {  	s15 =	sadd.s32 $0x40, s11;
	s17 =	simm.s32 $0x8800;
	[sflag:s26] =	ssyncadd.s32 $0xFFFFCE00  }
0x72: {  	[hbm4b:s15+s14] =	stream.strided.scatter [tilespmem:s17], [sflag:$0x2], $0x1900, s28, s14, $0x38;
	[tilespmem:$0x1C000] =	vst v63  }
0x73: {  	s17 =	sadd.s32 $0x50, s11  }
0x74: {  	[hbm4b:s17+s14] =	stream.strided.scatter [tilespmem:s0], [sflag:$0x2], $0x1900, s28, s14, $0x38;
	[tilespmem:$0x1C000] =	vst v63  }
0x75: {  	_ =	swait.ge @!p0 [sflag:s2], $0x1900  }
0x76: {  	[sflag:s2] =	ssyncset.done @!p0 $0x0  }
0x77: {  	[sflag:s2] =	ssyncadd.s32 @!p0 $0xFFFFE700  }
0x78: {  	_ =	swait.ge @!p0 [sflag:s2], $0x1900  }
0x79: {  	[sflag:s2] =	ssyncset.done @!p0 $0x0  }
0x7a: {  	s15 =	sadd.s32 @!p0 $0xFFFFFD80, s4;
	s17 =	simm.s32 @!p0 $0x5400;
	[sflag:s2] =	ssyncadd.s32 @!p0 $0xFFFFE700  }
0x7b: {  	[tilespmem:s17], [sflag:$0x1] =	stream.indirect.gather @!p0 [hbm4b:s3+s13], $0x80, s15, s13, $0xb8;
	[tilespmem:$0x1C000] =	vst v63  }
0x7c: {  	_ =	swait.ge [sflag:s26], $0x3200  }
0x7d: {  	[sflag:s26] =	ssyncset.done $0x0  }
0x7e: {  	s17 =	sadd.s32 $0x60, s11;
	[sflag:s26] =	ssyncadd.s32 $0xFFFFCE00  }
0x7f: {  	[hbm4b:s17+s14] =	stream.strided.scatter [tilespmem:s19], [sflag:$0x2], $0x1900, s28, s14, $0x38;
	[tilespmem:$0x1C000] =	vst v63  }
0x80: {  	s17 =	sadd.s32 $0x70, s11  }
0x81: {  	[hbm4b:s17+s14] =	stream.strided.scatter [tilespmem:s1], [sflag:$0x2], $0x1900, s28, s14, $0x38;
	[tilespmem:$0x1C000] =	vst v63  }
0x82: {  	_ =	swait.ge @!p0 [sflag:s2], $0x1900  }
0x83: {  	[sflag:s2] =	ssyncset.done @!p0 $0x0  }
0x84: {  	[sflag:s2] =	ssyncadd.s32 @!p0 $0xFFFFE700  }
0x85: {  	_ =	swait.ge @!p0 [sflag:s2], $0x1900  }
0x86: {  	[sflag:s2] =	ssyncset.done @!p0 $0x0  }
0x87: {  	s15 =	sadd.s32 @!p0 $0xFFFFFE00, s4;
	s17 =	simm.s32 @!p0 $0x8800;
	[sflag:s2] =	ssyncadd.s32 @!p0 $0xFFFFE700  }
0x88: {  	[tilespmem:s17], [sflag:$0x1] =	stream.indirect.gather @!p0 [hbm4b:s3+s13], $0x80, s15, s13, $0xb8;
	[tilespmem:$0x1C000] =	vst v63  }
0x89: {  	_ =	swait.ge [sflag:s26], $0x3200  }
0x8a: {  	[sflag:s26] =	ssyncset.done $0x0  }
0x8b: {  	s17 =	sadd.s32 s5, s9;
	[sflag:s26] =	ssyncadd.s32 $0xFFFFCE00  }
0x8c: {  	[hbm4b:s17+s14] =	stream.strided.scatter [tilespmem:s21], [sflag:$0x2], $0x1900, s28, s14, $0x38;
	[tilespmem:$0x1C000] =	vst v63  }
0x8d: {  	s15 =	sadd.s32 $0x10, s17  }
0x8e: {  	[hbm4b:s15+s14] =	stream.strided.scatter [tilespmem:s16], [sflag:$0x2], $0x1900, s28, s14, $0x38;
	[tilespmem:$0x1C000] =	vst v63  }
0x8f: {  	_ =	swait.ge @!p0 [sflag:s2], $0x1900  }
0x90: {  	[sflag:s2] =	ssyncset.done @!p0 $0x0  }
0x91: {  	[sflag:s2] =	ssyncadd.s32 @!p0 $0xFFFFE700  }
0x92: {  	_ =	swait.ge @!p0 [sflag:s2], $0x1900  }
0x93: {  	[sflag:s2] =	ssyncset.done @!p0 $0x0  }
0x94: {  	s17 =	simm.s32 @!p0 $0xBC00;
	s15 =	sadd.s32 @!p0 $0xFFFFFE80, s4;
	[sflag:s2] =	ssyncadd.s32 @!p0 $0xFFFFE700  }
0x95: {  	[tilespmem:s17], [sflag:$0x1] =	stream.indirect.gather @!p0 [hbm4b:s3+s13], $0x80, s15, s13, $0xb8;
	[tilespmem:$0x1C000] =	vst v63  }
0x96: {  	_ =	swait.ge [sflag:s26], $0x3200  }
0x97: {  	[sflag:s26] =	ssyncset.done $0x0  }
0x98: {  	s17 =	sadd.s32 $0xA0, s11;
	[sflag:s26] =	ssyncadd.s32 $0xFFFFCE00  }
0x99: {  	[hbm4b:s17+s14] =	stream.strided.scatter [tilespmem:s23], [sflag:$0x2], $0x1900, s28, s14, $0x38;
	[tilespmem:$0x1C000] =	vst v63  }
0x9a: {  	s17 =	sadd.s32 s5, s8  }
0x9b: {  	[hbm4b:s17+s14] =	stream.strided.scatter [tilespmem:s18], [sflag:$0x2], $0x1900, s28, s14, $0x38;
	[tilespmem:$0x1C000] =	vst v63  }
0x9c: {  	_ =	swait.ge @!p0 [sflag:s2], $0x1900  }
0x9d: {  	[sflag:s2] =	ssyncset.done @!p0 $0x0  }
0x9e: {  	[sflag:s2] =	ssyncadd.s32 @!p0 $0xFFFFE700  }
0x9f: {  	_ =	swait.ge @!p0 [sflag:s2], $0x1900  }
0xa0: {  	[sflag:s2] =	ssyncset.done @!p0 $0x0  }
0xa1: {  	s15 =	sadd.s32 @!p0 $0xFFFFFF00, s4;
	s17 =	simm.s32 @!p0 $0xF000;
	[sflag:s2] =	ssyncadd.s32 @!p0 $0xFFFFE700  }
0xa2: {  	[tilespmem:s17], [sflag:$0x1] =	stream.indirect.gather @!p0 [hbm4b:s3+s13], $0x80, s15, s13, $0xb8;
	[tilespmem:$0x1C000] =	vst v63  }
0xa3: {  	_ =	swait.ge [sflag:s26], $0x3200  }
0xa4: {  	[sflag:s26] =	ssyncset.done $0x0  }
0xa5: {  	s17 =	sadd.s32 $0xC0, s11;
	[sflag:s26] =	ssyncadd.s32 $0xFFFFCE00  }
0xa6: {  	[hbm4b:s17+s14] =	stream.strided.scatter [tilespmem:s25], [sflag:$0x2], $0x1900, s28, s14, $0x38;
	[tilespmem:$0x1C000] =	vst v63  }
0xa7: {  	s17 =	sadd.s32 s5, s7  }
0xa8: {  	[hbm4b:s17+s14] =	stream.strided.scatter [tilespmem:s20], [sflag:$0x2], $0x1900, s28, s14, $0x38;
	[tilespmem:$0x1C000] =	vst v63  }
0xa9: {  	_ =	swait.ge @!p0 [sflag:s2], $0x1900  }
0xaa: {  	[sflag:s2] =	ssyncset.done @!p0 $0x0  }
0xab: {  	[sflag:s2] =	ssyncadd.s32 @!p0 $0xFFFFE700  }
0xac: {  	_ =	swait.ge @!p0 [sflag:s2], $0x1900  }
0xad: {  	[sflag:s2] =	ssyncset.done @!p0 $0x0  }
0xae: {  	s15 =	simm.s32 @!p0 $0x12400;
	[sflag:s2] =	ssyncadd.s32 @!p0 $0xFFFFE700;
	s2 =	sadd.s32 @!p0 $0xFFFFFF80, s4  }
0xaf: {  	[tilespmem:s15], [sflag:$0x1] =	stream.indirect.gather @!p0 [hbm4b:s3+s13], $0x80, s2, s13, $0xb8;
	[tilespmem:$0x1C000] =	vst v63  }
0xb0: {  	_ =	swait.ge [sflag:s26], $0x3200  }
0xb1: {  	[sflag:s26] =	ssyncset.done $0x0  }
0xb2: {  	s15 =	sadd.s32 $0xE0, s11;
	[sflag:s26] =	ssyncadd.s32 $0xFFFFCE00  }
0xb3: {  	[hbm4b:s15+s14] =	stream.strided.scatter [tilespmem:s30], [sflag:$0x2], $0x1900, s28, s14, $0x38;
	[tilespmem:$0x1C000] =	vst v63  }
0xb4: {  	s17 =	sadd.s32 s5, s10  }
0xb5: {  	[hbm4b:s17+s14] =	stream.strided.scatter [tilespmem:s22], [sflag:$0x2], $0x1900, s28, s14, $0x38;
	[tilespmem:$0x1C000] =	vst v63  }
0xb6: {  	_ =	swait.ge [sflag:s24], $0x1900  }
.Ltmp2:
0xb7: {  	[sflag:s24] =	ssyncset.done $0x0;
	(pc) =	sbr.rel @p0 .LBB2_4-.Ltmp2, $4  }
0xb8: {  	[sflag:s24] =	ssyncadd.s32 $0xFFFFE700  }
0xb9: {  	_ =	swait.ge [sflag:s24], $0x1900  }
0xba: {  	[sflag:s24] =	ssyncset.done $0x0  }
0xbb: {  	[sflag:s24] =	ssyncadd.s32 $0xFFFFE700  }
.Ltmp3:
0xbc: {  	(pc) =	sbr.rel .LBB2_2-.Ltmp3, $3  }
0xbd: {  	_ =	sdelay $0x1  }
0xbe: {  	[tilespmem:s25], [sflag:$0x1] =	stream.indirect.gather [hbm4b:s3+s12], $0x80, s4, s12, $0xb8;
	[tilespmem:$0x1C000] =	vst v63  }
0xbf: {  	s4 =	sadd.s32 $0x400, s4;
	s5 =	sadd.s32 $0x100, s5  }
.LBB2_5:
0xc0: {  	_ =	sfence.sel $0x180000  }
0xc1: {  	[bflag:$0x0] =	sbarrier.arrive $0xFFFF  }
0xc2: {  	_ =	strace $0x90000047  }
0xc3: {  	s0 =	stileid.u32;
	[bflag:$0x2] =	sbarrier.arrive $0xFFFF  }
0xc4: {  	p0 =	sne.s32 s0, $0x0;
	s0 =	rddreg [dreg:$0x2]  }
0xc5: {  	s0 =	sadd.s32 @!p0 $0x100000, s0  }
0xc6: {  	[sflag:s0] =	ssyncadd.tile.s32 @!p0 $0x1;
	_ =	shalt  }
.Lfunc_end2:
_tile_overlayer_lowered:
.L_overlay_start_2:
0xc7: {  	(tag) =	ssettag $0x2  }
0xc8: {  	s0 =	rddreg [dreg:$0x0];
	s2 =	stileid.u32  }
0xc9: {  	s1 =	rddreg [dreg:$0x1];
	p0 =	sne.s32 s2, $0x0  }
0xca: {  	s3 =	rddreg [dreg:$0x2];
	[bflag:$0x3] =	sbarrier.arrive $0xFFFF;
	s2 =	simm.s32 @!p0 $0x1C03  }
0xcb: {  	[timem:s3], [sflag:s2] =	dma.local @!p0 [hbm:s0], s1  }
0xcc: {  	s0 =	simm.s32 @!p0 $0x3  }
0xcd: {  	_ =	swait.ge @!p0 [sflag:s0], s1  }
0xce: {  	s1 =	ssub.s32 @!p0 $0x0, s1;
	[sflag:s0] =	ssyncset.done @!p0 $0x0  }
0xcf: {  	[sflag:s0] =	ssyncadd.s32 @!p0 s1  }
0xd0: {  	[bflag:$0x3] =	sbarrier.arrive $0xFFFF  }
0xd1: {  	_ =	shalt  }

</sc_bundles>
